<compile_context>
chip_gen: v7x
topology: tpu7x:2x2x1
jax: 0.10.2.dev20260603
libtpu: 0.0.44.dev20260713+nightly
codegen_flags: <defaults>
</compile_context>

<pallas_src>
import jax
import jax.numpy as jnp
from jax import lax
from jax.experimental import pallas as pl
from jax.experimental.pallas import tpu as pltpu
from jax.experimental.pallas import tpu_sc as plsc

_NC = 2
_NS = 16
_NW = _NC * _NS
_C = 128
_NBUF = 8


def kernel(segment_ids, table):
    batch, hist = segment_ids.shape
    num_rows, dim = table.shape
    total = batch * hist
    per_w = total // _NW
    n_chunks = per_w // _C
    assert total % _NW == 0 and per_w % _C == 0 and n_chunks % _NBUF == 0

    flat_idx = segment_ids.reshape(total).astype(jnp.int32)
    mesh = plsc.VectorSubcoreMesh(core_axis_name="c", subcore_axis_name="s")

    @pl.kernel(
        out_type=jax.ShapeDtypeStruct((total, dim), table.dtype),
        mesh=mesh,
        scratch_types=[
            pltpu.VMEM((per_w,), jnp.int32),
            pltpu.VMEM((_NBUF, _C, dim), jnp.float32),
            pltpu.SemaphoreType.DMA((_NBUF,)),
            pltpu.SemaphoreType.DMA((_NBUF,)),
        ],
        compiler_params=pltpu.CompilerParams(use_tc_tiling_on_sc=False),
    )
    def gather_kernel(table_hbm, idx_hbm, out_hbm, idx_v, rows_v, gsem, wsem):
        wid = lax.axis_index("s") * _NC + lax.axis_index("c")
        base = wid * per_w
        pltpu.sync_copy(idx_hbm.at[pl.ds(base, per_w)], idx_v)

        def fire_gather(g, b):
            pltpu.async_copy(
                table_hbm.at[idx_v.at[pl.ds(g * _C, _C)]],
                rows_v.at[b],
                gsem.at[b],
            )

        for b in range(_NBUF):
            fire_gather(b, b)

        @pl.loop(0, n_chunks, step=_NBUF)
        def _(g0):
            for b in range(_NBUF):
                g = g0 + b
                pltpu.make_async_copy(
                    table_hbm.at[idx_v.at[pl.ds(g * _C, _C)]],
                    rows_v.at[b],
                    gsem.at[b],
                ).wait()
                wb = pltpu.async_copy(
                    rows_v.at[b],
                    out_hbm.at[pl.ds(base + g * _C, _C)],
                    wsem.at[b],
                )

                @pl.when(g + _NBUF < n_chunks)
                def _():
                    wb.wait()
                    fire_gather(g + _NBUF, b)

        for b in range(_NBUF):
            pltpu.make_async_copy(
                rows_v.at[b],
                out_hbm.at[pl.ds(base, _C)],
                wsem.at[b],
            ).wait()

    out = gather_kernel(table, flat_idx)
    return out.reshape(batch, hist, dim)

# --- scband reference (transcript-rebuilt; emitter-appended) ---
"""Pipeline reference for scband-historical-embedding-7017976561800 (READ-ONLY COPY).

The authoritative reference and input builder live on the scoring server;
editing this copy changes nothing except your own understanding.
"""

import jax, jax.numpy as jnp
import numpy as np

NUM_SEGMENTS = 1000000
EMBED_DIM = 32
BATCH = 16384
HIST_LEN = 50

def setup_inputs(seed: int = 0) -> dict:
    key = jax.random.key(seed)
    k1, k2 = jax.random.split(key)
    segment_ids = jax.random.randint(k1, (BATCH, HIST_LEN), 0, NUM_SEGMENTS, dtype=jnp.int64 if jax.config.jax_enable_x64 else jnp.int32)
    # Embedding table initialized N(0, 0.1) per nn.init.normal_(std=0.1)
    table = jax.random.normal(k2, (NUM_SEGMENTS, EMBED_DIM), dtype=jnp.float32) * 0.1
    return {"segment_ids": segment_ids, "table": table}

def reference(segment_ids, table):
    # nn.Embedding forward: row gather from the embedding table
    return jnp.take(table, segment_ids, axis=0)

if __name__ == "__main__":
    import jax
    _d = setup_inputs()
    print(jax.jit(kernel)(*tuple(_d.values())))

</pallas_src>

<mosaic_0001>
#map = affine_map<(d0, d1) -> (0, 0)>
#map1 = affine_map<(d0, d1) -> (0)>
module attributes {stable_mosaic.version = 14 : i64} {
  func.func @gather_kernel(%arg0: i32, %arg1: i32, %arg2: memref<1000000x32xf32, #tpu.memory_space<hbm>>, %arg3: memref<819200xi32, #tpu.memory_space<hbm>>, %arg4: memref<819200x32xf32, #tpu.memory_space<hbm>>, %arg5: memref<25600xi32, #tpu.memory_space<vmem>>, %arg6: memref<8x128x32xf32, #tpu.memory_space<vmem>>, %arg7: memref<8x!tpu.dma_semaphore, #tpu.memory_space<semaphore_mem>>, %arg8: memref<8x!tpu.dma_semaphore, #tpu.memory_space<semaphore_mem>>) attributes {dimension_semantics = [#tpu.dimension_semantics<core_parallel>, #tpu.dimension_semantics<subcore_parallel>], iteration_bounds = array<i64: 2, 16>, scalar_prefetch = 0 : i64, scratch_operands = 4 : i64, tpu.core_type = #tpu.core_type<sc_vector_subcore>, window_params = [{transform_indices = #map}, {transform_indices = #map1}, {transform_indices = #map}]} {
    %mul3A = arith.constant 2 : i32
    %mul3A_0 = arith.muli %arg1, %mul3A : i32
    %add3A = arith.addi %mul3A_0, %arg0 : i32
    %mul3A_1 = arith.constant 25600 : i32
    %mul3A_2 = arith.muli %add3A, %mul3A_1 : i32
    "tpu.region"() ({
      %run_scoped3A = tpu.sem_alloc : memref<!tpu.dma_semaphore, #tpu.memory_space<semaphore_mem>>
      %dma_start3A_237 = tpu.memref_slice %arg3[%mul3A_2] : memref<819200xi32, #tpu.memory_space<hbm>> -> memref<25600xi32, #tpu.memory_space<hbm>>
      %dma_start3A_238 = tpu.memref_slice %arg3[%mul3A_2] : memref<819200xi32, #tpu.memory_space<hbm>> -> memref<25600xi32, #tpu.memory_space<hbm>>
      tpu.enqueue_dma source(%dma_start3A_238 : memref<25600xi32, #tpu.memory_space<hbm>>) target(%arg5 : memref<25600xi32, #tpu.memory_space<vmem>>) target_semaphore(%run_scoped3A : memref<!tpu.dma_semaphore, #tpu.memory_space<semaphore_mem>>)
      %dma_wait3A_239 = tpu.memref_slice %arg3[%mul3A_2] : memref<819200xi32, #tpu.memory_space<hbm>> -> memref<25600xi32, #tpu.memory_space<hbm>>
      %dma_wait3A_240 = tpu.memref_slice %arg3[%mul3A_2] : memref<819200xi32, #tpu.memory_space<hbm>> -> memref<25600xi32, #tpu.memory_space<hbm>>
      tpu.wait_dma2 semaphore(%run_scoped3A : memref<!tpu.dma_semaphore, #tpu.memory_space<semaphore_mem>>) src(%dma_wait3A_240 : memref<25600xi32, #tpu.memory_space<hbm>>) dst(%arg5 : memref<25600xi32, #tpu.memory_space<vmem>>)
      tpu.yield
    }) : () -> ()
    %dma_start3A = arith.constant 0 : i32
    %dma_start3A_3 = arith.constant 0 : i32
    %dma_start3A_4 = arith.constant 0 : i32
    %dma_start3A_5 = arith.constant 0 : i32
    %dma_start3A_6 = tpu.memref_slice %arg6[%dma_start3A, %dma_start3A_4, %dma_start3A_5] : memref<8x128x32xf32, #tpu.memory_space<vmem>> -> memref<1x128x32xf32, #tpu.memory_space<vmem>>
    %dma_start3A_7 = tpu.memref_squeeze %dma_start3A_6 : memref<1x128x32xf32, #tpu.memory_space<vmem>> -> memref<128x32xf32, #tpu.memory_space<vmem>>
    %dma_start3A_8 = arith.constant 0 : i32
    %dma_start3A_9 = tpu.memref_slice %arg5[%dma_start3A_8] : memref<25600xi32, #tpu.memory_space<vmem>> -> memref<128xi32, #tpu.memory_space<vmem>>
    %dma_start3A_10 = arith.constant 0 : i32
    %dma_start3A_11 = arith.constant 0 : i32
    %dma_start3A_12 = tpu.memref_slice %arg2[%dma_start3A_10, %dma_start3A_11] : memref<1000000x32xf32, #tpu.memory_space<hbm>> -> memref<1000000x32xf32, #tpu.memory_space<hbm>>
    %dma_start3A_13 = tpu.memref_slice %arg7[%dma_start3A_3] : memref<8x!tpu.dma_semaphore, #tpu.memory_space<semaphore_mem>> -> memref<1x!tpu.dma_semaphore, #tpu.memory_space<semaphore_mem>>
    %dma_start3A_14 = tpu.memref_squeeze %dma_start3A_13 : memref<1x!tpu.dma_semaphore, #tpu.memory_space<semaphore_mem>> -> memref<!tpu.dma_semaphore, #tpu.memory_space<semaphore_mem>>
    tpu.enqueue_indirect_dma source(%dma_start3A_12 : memref<1000000x32xf32, #tpu.memory_space<hbm>>) target(%dma_start3A_7 : memref<128x32xf32, #tpu.memory_space<vmem>>) offsets(%dma_start3A_9 : memref<128xi32, #tpu.memory_space<vmem>>) semaphore(%dma_start3A_14 : memref<!tpu.dma_semaphore, #tpu.memory_space<semaphore_mem>>)
    %dma_start3A_15 = arith.constant 1 : i32
    %dma_start3A_16 = arith.constant 1 : i32
    %dma_start3A_17 = arith.constant 0 : i32
    %dma_start3A_18 = arith.constant 0 : i32
    %dma_start3A_19 = tpu.memref_slice %arg6[%dma_start3A_15, %dma_start3A_17, %dma_start3A_18] : memref<8x128x32xf32, #tpu.memory_space<vmem>> -> memref<1x128x32xf32, #tpu.memory_space<vmem>>
    %dma_start3A_20 = tpu.memref_squeeze %dma_start3A_19 : memref<1x128x32xf32, #tpu.memory_space<vmem>> -> memref<128x32xf32, #tpu.memory_space<vmem>>
    %dma_start3A_21 = arith.constant 128 : i32
    %dma_start3A_22 = tpu.memref_slice %arg5[%dma_start3A_21] : memref<25600xi32, #tpu.memory_space<vmem>> -> memref<128xi32, #tpu.memory_space<vmem>>
    %dma_start3A_23 = arith.constant 0 : i32
    %dma_start3A_24 = arith.constant 0 : i32
    %dma_start3A_25 = tpu.memref_slice %arg2[%dma_start3A_23, %dma_start3A_24] : memref<1000000x32xf32, #tpu.memory_space<hbm>> -> memref<1000000x32xf32, #tpu.memory_space<hbm>>
    %dma_start3A_26 = tpu.memref_slice %arg7[%dma_start3A_16] : memref<8x!tpu.dma_semaphore, #tpu.memory_space<semaphore_mem>> -> memref<1x!tpu.dma_semaphore, #tpu.memory_space<semaphore_mem>>
    %dma_start3A_27 = tpu.memref_squeeze %dma_start3A_26 : memref<1x!tpu.dma_semaphore, #tpu.memory_space<semaphore_mem>> -> memref<!tpu.dma_semaphore, #tpu.memory_space<semaphore_mem>>
    tpu.enqueue_indirect_dma source(%dma_start3A_25 : memref<1000000x32xf32, #tpu.memory_space<hbm>>) target(%dma_start3A_20 : memref<128x32xf32, #tpu.memory_space<vmem>>) offsets(%dma_start3A_22 : memref<128xi32, #tpu.memory_space<vmem>>) semaphore(%dma_start3A_27 : memref<!tpu.dma_semaphore, #tpu.memory_space<semaphore_mem>>)
    %dma_start3A_28 = arith.constant 2 : i32
    %dma_start3A_29 = arith.constant 2 : i32
    %dma_start3A_30 = arith.constant 0 : i32
    %dma_start3A_31 = arith.constant 0 : i32
    %dma_start3A_32 = tpu.memref_slice %arg6[%dma_start3A_28, %dma_start3A_30, %dma_start3A_31] : memref<8x128x32xf32, #tpu.memory_space<vmem>> -> memref<1x128x32xf32, #tpu.memory_space<vmem>>
    %dma_start3A_33 = tpu.memref_squeeze %dma_start3A_32 : memref<1x128x32xf32, #tpu.memory_space<vmem>> -> memref<128x32xf32, #tpu.memory_space<vmem>>
    %dma_start3A_34 = arith.constant 256 : i32
    %dma_start3A_35 = tpu.memref_slice %arg5[%dma_start3A_34] : memref<25600xi32, #tpu.memory_space<vmem>> -> memref<128xi32, #tpu.memory_space<vmem>>
    %dma_start3A_36 = arith.constant 0 : i32
    %dma_start3A_37 = arith.constant 0 : i32
    %dma_start3A_38 = tpu.memref_slice %arg2[%dma_start3A_36, %dma_start3A_37] : memref<1000000x32xf32, #tpu.memory_space<hbm>> -> memref<1000000x32xf32, #tpu.memory_space<hbm>>
    %dma_start3A_39 = tpu.memref_slice %arg7[%dma_start3A_29] : memref<8x!tpu.dma_semaphore, #tpu.memory_space<semaphore_mem>> -> memref<1x!tpu.dma_semaphore, #tpu.memory_space<semaphore_mem>>
    %dma_start3A_40 = tpu.memref_squeeze %dma_start3A_39 : memref<1x!tpu.dma_semaphore, #tpu.memory_space<semaphore_mem>> -> memref<!tpu.dma_semaphore, #tpu.memory_space<semaphore_mem>>
    tpu.enqueue_indirect_dma source(%dma_start3A_38 : memref<1000000x32xf32, #tpu.memory_space<hbm>>) target(%dma_start3A_33 : memref<128x32xf32, #tpu.memory_space<vmem>>) offsets(%dma_start3A_35 : memref<128xi32, #tpu.memory_space<vmem>>) semaphore(%dma_start3A_40 : memref<!tpu.dma_semaphore, #tpu.memory_space<semaphore_mem>>)
    %dma_start3A_41 = arith.constant 3 : i32
    %dma_start3A_42 = arith.constant 3 : i32
    %dma_start3A_43 = arith.constant 0 : i32
    %dma_start3A_44 = arith.constant 0 : i32
    %dma_start3A_45 = tpu.memref_slice %arg6[%dma_start3A_41, %dma_start3A_43, %dma_start3A_44] : memref<8x128x32xf32, #tpu.memory_space<vmem>> -> memref<1x128x32xf32, #tpu.memory_space<vmem>>
    %dma_start3A_46 = tpu.memref_squeeze %dma_start3A_45 : memref<1x128x32xf32, #tpu.memory_space<vmem>> -> memref<128x32xf32, #tpu.memory_space<vmem>>
    %dma_start3A_47 = arith.constant 384 : i32
    %dma_start3A_48 = tpu.memref_slice %arg5[%dma_start3A_47] : memref<25600xi32, #tpu.memory_space<vmem>> -> memref<128xi32, #tpu.memory_space<vmem>>
    %dma_start3A_49 = arith.constant 0 : i32
    %dma_start3A_50 = arith.constant 0 : i32
    %dma_start3A_51 = tpu.memref_slice %arg2[%dma_start3A_49, %dma_start3A_50] : memref<1000000x32xf32, #tpu.memory_space<hbm>> -> memref<1000000x32xf32, #tpu.memory_space<hbm>>
    %dma_start3A_52 = tpu.memref_slice %arg7[%dma_start3A_42] : memref<8x!tpu.dma_semaphore, #tpu.memory_space<semaphore_mem>> -> memref<1x!tpu.dma_semaphore, #tpu.memory_space<semaphore_mem>>
    %dma_start3A_53 = tpu.memref_squeeze %dma_start3A_52 : memref<1x!tpu.dma_semaphore, #tpu.memory_space<semaphore_mem>> -> memref<!tpu.dma_semaphore, #tpu.memory_space<semaphore_mem>>
    tpu.enqueue_indirect_dma source(%dma_start3A_51 : memref<1000000x32xf32, #tpu.memory_space<hbm>>) target(%dma_start3A_46 : memref<128x32xf32, #tpu.memory_space<vmem>>) offsets(%dma_start3A_48 : memref<128xi32, #tpu.memory_space<vmem>>) semaphore(%dma_start3A_53 : memref<!tpu.dma_semaphore, #tpu.memory_space<semaphore_mem>>)
    %dma_start3A_54 = arith.constant 4 : i32
    %dma_start3A_55 = arith.constant 4 : i32
    %dma_start3A_56 = arith.constant 0 : i32
    %dma_start3A_57 = arith.constant 0 : i32
    %dma_start3A_58 = tpu.memref_slice %arg6[%dma_start3A_54, %dma_start3A_56, %dma_start3A_57] : memref<8x128x32xf32, #tpu.memory_space<vmem>> -> memref<1x128x32xf32, #tpu.memory_space<vmem>>
    %dma_start3A_59 = tpu.memref_squeeze %dma_start3A_58 : memref<1x128x32xf32, #tpu.memory_space<vmem>> -> memref<128x32xf32, #tpu.memory_space<vmem>>
    %dma_start3A_60 = arith.constant 512 : i32
    %dma_start3A_61 = tpu.memref_slice %arg5[%dma_start3A_60] : memref<25600xi32, #tpu.memory_space<vmem>> -> memref<128xi32, #tpu.memory_space<vmem>>
    %dma_start3A_62 = arith.constant 0 : i32
    %dma_start3A_63 = arith.constant 0 : i32
    %dma_start3A_64 = tpu.memref_slice %arg2[%dma_start3A_62, %dma_start3A_63] : memref<1000000x32xf32, #tpu.memory_space<hbm>> -> memref<1000000x32xf32, #tpu.memory_space<hbm>>
    %dma_start3A_65 = tpu.memref_slice %arg7[%dma_start3A_55] : memref<8x!tpu.dma_semaphore, #tpu.memory_space<semaphore_mem>> -> memref<1x!tpu.dma_semaphore, #tpu.memory_space<semaphore_mem>>
    %dma_start3A_66 = tpu.memref_squeeze %dma_start3A_65 : memref<1x!tpu.dma_semaphore, #tpu.memory_space<semaphore_mem>> -> memref<!tpu.dma_semaphore, #tpu.memory_space<semaphore_mem>>
    tpu.enqueue_indirect_dma source(%dma_start3A_64 : memref<1000000x32xf32, #tpu.memory_space<hbm>>) target(%dma_start3A_59 : memref<128x32xf32, #tpu.memory_space<vmem>>) offsets(%dma_start3A_61 : memref<128xi32, #tpu.memory_space<vmem>>) semaphore(%dma_start3A_66 : memref<!tpu.dma_semaphore, #tpu.memory_space<semaphore_mem>>)
    %dma_start3A_67 = arith.constant 5 : i32
    %dma_start3A_68 = arith.constant 5 : i32
    %dma_start3A_69 = arith.constant 0 : i32
    %dma_start3A_70 = arith.constant 0 : i32
    %dma_start3A_71 = tpu.memref_slice %arg6[%dma_start3A_67, %dma_start3A_69, %dma_start3A_70] : memref<8x128x32xf32, #tpu.memory_space<vmem>> -> memref<1x128x32xf32, #tpu.memory_space<vmem>>
    %dma_start3A_72 = tpu.memref_squeeze %dma_start3A_71 : memref<1x128x32xf32, #tpu.memory_space<vmem>> -> memref<128x32xf32, #tpu.memory_space<vmem>>
    %dma_start3A_73 = arith.constant 640 : i32
    %dma_start3A_74 = tpu.memref_slice %arg5[%dma_start3A_73] : memref<25600xi32, #tpu.memory_space<vmem>> -> memref<128xi32, #tpu.memory_space<vmem>>
    %dma_start3A_75 = arith.constant 0 : i32
    %dma_start3A_76 = arith.constant 0 : i32
    %dma_start3A_77 = tpu.memref_slice %arg2[%dma_start3A_75, %dma_start3A_76] : memref<1000000x32xf32, #tpu.memory_space<hbm>> -> memref<1000000x32xf32, #tpu.memory_space<hbm>>
    %dma_start3A_78 = tpu.memref_slice %arg7[%dma_start3A_68] : memref<8x!tpu.dma_semaphore, #tpu.memory_space<semaphore_mem>> -> memref<1x!tpu.dma_semaphore, #tpu.memory_space<semaphore_mem>>
    %dma_start3A_79 = tpu.memref_squeeze %dma_start3A_78 : memref<1x!tpu.dma_semaphore, #tpu.memory_space<semaphore_mem>> -> memref<!tpu.dma_semaphore, #tpu.memory_space<semaphore_mem>>
    tpu.enqueue_indirect_dma source(%dma_start3A_77 : memref<1000000x32xf32, #tpu.memory_space<hbm>>) target(%dma_start3A_72 : memref<128x32xf32, #tpu.memory_space<vmem>>) offsets(%dma_start3A_74 : memref<128xi32, #tpu.memory_space<vmem>>) semaphore(%dma_start3A_79 : memref<!tpu.dma_semaphore, #tpu.memory_space<semaphore_mem>>)
    %dma_start3A_80 = arith.constant 6 : i32
    %dma_start3A_81 = arith.constant 6 : i32
    %dma_start3A_82 = arith.constant 0 : i32
    %dma_start3A_83 = arith.constant 0 : i32
    %dma_start3A_84 = tpu.memref_slice %arg6[%dma_start3A_80, %dma_start3A_82, %dma_start3A_83] : memref<8x128x32xf32, #tpu.memory_space<vmem>> -> memref<1x128x32xf32, #tpu.memory_space<vmem>>
    %dma_start3A_85 = tpu.memref_squeeze %dma_start3A_84 : memref<1x128x32xf32, #tpu.memory_space<vmem>> -> memref<128x32xf32, #tpu.memory_space<vmem>>
    %dma_start3A_86 = arith.constant 768 : i32
    %dma_start3A_87 = tpu.memref_slice %arg5[%dma_start3A_86] : memref<25600xi32, #tpu.memory_space<vmem>> -> memref<128xi32, #tpu.memory_space<vmem>>
    %dma_start3A_88 = arith.constant 0 : i32
    %dma_start3A_89 = arith.constant 0 : i32
    %dma_start3A_90 = tpu.memref_slice %arg2[%dma_start3A_88, %dma_start3A_89] : memref<1000000x32xf32, #tpu.memory_space<hbm>> -> memref<1000000x32xf32, #tpu.memory_space<hbm>>
    %dma_start3A_91 = tpu.memref_slice %arg7[%dma_start3A_81] : memref<8x!tpu.dma_semaphore, #tpu.memory_space<semaphore_mem>> -> memref<1x!tpu.dma_semaphore, #tpu.memory_space<semaphore_mem>>
    %dma_start3A_92 = tpu.memref_squeeze %dma_start3A_91 : memref<1x!tpu.dma_semaphore, #tpu.memory_space<semaphore_mem>> -> memref<!tpu.dma_semaphore, #tpu.memory_space<semaphore_mem>>
    tpu.enqueue_indirect_dma source(%dma_start3A_90 : memref<1000000x32xf32, #tpu.memory_space<hbm>>) target(%dma_start3A_85 : memref<128x32xf32, #tpu.memory_space<vmem>>) offsets(%dma_start3A_87 : memref<128xi32, #tpu.memory_space<vmem>>) semaphore(%dma_start3A_92 : memref<!tpu.dma_semaphore, #tpu.memory_space<semaphore_mem>>)
    %dma_start3A_93 = arith.constant 7 : i32
    %dma_start3A_94 = arith.constant 7 : i32
    %dma_start3A_95 = arith.constant 0 : i32
    %dma_start3A_96 = arith.constant 0 : i32
    %dma_start3A_97 = tpu.memref_slice %arg6[%dma_start3A_93, %dma_start3A_95, %dma_start3A_96] : memref<8x128x32xf32, #tpu.memory_space<vmem>> -> memref<1x128x32xf32, #tpu.memory_space<vmem>>
    %dma_start3A_98 = tpu.memref_squeeze %dma_start3A_97 : memref<1x128x32xf32, #tpu.memory_space<vmem>> -> memref<128x32xf32, #tpu.memory_space<vmem>>
    %dma_start3A_99 = arith.constant 896 : i32
    %dma_start3A_100 = tpu.memref_slice %arg5[%dma_start3A_99] : memref<25600xi32, #tpu.memory_space<vmem>> -> memref<128xi32, #tpu.memory_space<vmem>>
    %dma_start3A_101 = arith.constant 0 : i32
    %dma_start3A_102 = arith.constant 0 : i32
    %dma_start3A_103 = tpu.memref_slice %arg2[%dma_start3A_101, %dma_start3A_102] : memref<1000000x32xf32, #tpu.memory_space<hbm>> -> memref<1000000x32xf32, #tpu.memory_space<hbm>>
    %dma_start3A_104 = tpu.memref_slice %arg7[%dma_start3A_94] : memref<8x!tpu.dma_semaphore, #tpu.memory_space<semaphore_mem>> -> memref<1x!tpu.dma_semaphore, #tpu.memory_space<semaphore_mem>>
    %dma_start3A_105 = tpu.memref_squeeze %dma_start3A_104 : memref<1x!tpu.dma_semaphore, #tpu.memory_space<semaphore_mem>> -> memref<!tpu.dma_semaphore, #tpu.memory_space<semaphore_mem>>
    tpu.enqueue_indirect_dma source(%dma_start3A_103 : memref<1000000x32xf32, #tpu.memory_space<hbm>>) target(%dma_start3A_98 : memref<128x32xf32, #tpu.memory_space<vmem>>) offsets(%dma_start3A_100 : memref<128xi32, #tpu.memory_space<vmem>>) semaphore(%dma_start3A_105 : memref<!tpu.dma_semaphore, #tpu.memory_space<semaphore_mem>>)
    %scan3A = arith.constant 0 : i32
    %scan3A_106 = arith.constant 25 : i32
    %scan3A_107 = arith.addi %scan3A, %scan3A_106 : i32
    %scan3A_108 = arith.constant 1 : i32
    scf.for %scan3A_237 = %scan3A to %scan3A_107 step %scan3A_108  : i32 {
      %mul3A_238 = arith.constant 8 : i32
      %mul3A_239 = arith.muli %scan3A_237, %mul3A_238 : i32
      %add3A_240 = arith.constant 0 : i32
      %add3A_241 = arith.addi %add3A_240, %mul3A_239 : i32
      %add3A_242 = arith.constant 0 : i32
      %add3A_243 = arith.addi %add3A_241, %add3A_242 : i32
      %mul3A_244 = arith.constant 128 : i32
      %mul3A_245 = arith.muli %add3A_243, %mul3A_244 : i32
      %dma_wait3A_246 = arith.constant 0 : i32
      %dma_wait3A_247 = arith.constant 0 : i32
      %dma_wait3A_248 = arith.constant 0 : i32
      %dma_wait3A_249 = arith.constant 0 : i32
      %dma_wait3A_250 = tpu.memref_slice %arg6[%dma_wait3A_246, %dma_wait3A_248, %dma_wait3A_249] : memref<8x128x32xf32, #tpu.memory_space<vmem>> -> memref<1x128x32xf32, #tpu.memory_space<vmem>>
      %dma_wait3A_251 = tpu.memref_squeeze %dma_wait3A_250 : memref<1x128x32xf32, #tpu.memory_space<vmem>> -> memref<128x32xf32, #tpu.memory_space<vmem>>
      %dma_wait3A_252 = tpu.memref_slice %arg5[%mul3A_245] : memref<25600xi32, #tpu.memory_space<vmem>> -> memref<128xi32, #tpu.memory_space<vmem>>
      %dma_wait3A_253 = arith.constant 0 : i32
      %dma_wait3A_254 = arith.constant 0 : i32
      %dma_wait3A_255 = tpu.memref_slice %arg2[%dma_wait3A_253, %dma_wait3A_254] : memref<1000000x32xf32, #tpu.memory_space<hbm>> -> memref<1000000x32xf32, #tpu.memory_space<hbm>>
      %dma_wait3A_256 = tpu.memref_slice %arg7[%dma_wait3A_247] : memref<8x!tpu.dma_semaphore, #tpu.memory_space<semaphore_mem>> -> memref<1x!tpu.dma_semaphore, #tpu.memory_space<semaphore_mem>>
      %dma_wait3A_257 = tpu.memref_squeeze %dma_wait3A_256 : memref<1x!tpu.dma_semaphore, #tpu.memory_space<semaphore_mem>> -> memref<!tpu.dma_semaphore, #tpu.memory_space<semaphore_mem>>
      tpu.wait_indirect_dma semaphore(%dma_wait3A_257 : memref<!tpu.dma_semaphore, #tpu.memory_space<semaphore_mem>>) src(%dma_wait3A_255 : memref<1000000x32xf32, #tpu.memory_space<hbm>>) dst(%dma_wait3A_251 : memref<128x32xf32, #tpu.memory_space<vmem>>)
      %mul3A_258 = arith.constant 128 : i32
      %mul3A_259 = arith.muli %add3A_243, %mul3A_258 : i32
      %add3A_260 = arith.addi %mul3A_2, %mul3A_259 : i32
      %dma_start3A_261 = arith.constant 0 : i32
      %dma_start3A_262 = arith.constant 0 : i32
      %dma_start3A_263 = arith.constant 0 : i32
      %dma_start3A_264 = arith.constant 0 : i32
      %dma_start3A_265 = tpu.memref_slice %arg6[%dma_start3A_261, %dma_start3A_263, %dma_start3A_264] : memref<8x128x32xf32, #tpu.memory_space<vmem>> -> memref<1x128x32xf32, #tpu.memory_space<vmem>>
      %dma_start3A_266 = tpu.memref_squeeze %dma_start3A_265 : memref<1x128x32xf32, #tpu.memory_space<vmem>> -> memref<128x32xf32, #tpu.memory_space<vmem>>
      %dma_start3A_267 = arith.constant 0 : i32
      %dma_start3A_268 = tpu.memref_slice %arg4[%add3A_260, %dma_start3A_267] : memref<819200x32xf32, #tpu.memory_space<hbm>> -> memref<128x32xf32, #tpu.memory_space<hbm>>
      %dma_start3A_269 = tpu.memref_slice %arg8[%dma_start3A_262] : memref<8x!tpu.dma_semaphore, #tpu.memory_space<semaphore_mem>> -> memref<1x!tpu.dma_semaphore, #tpu.memory_space<semaphore_mem>>
      %dma_start3A_270 = tpu.memref_squeeze %dma_start3A_269 : memref<1x!tpu.dma_semaphore, #tpu.memory_space<semaphore_mem>> -> memref<!tpu.dma_semaphore, #tpu.memory_space<semaphore_mem>>
      %dma_start3A_271 = arith.constant 0 : i32
      %dma_start3A_272 = tpu.memref_slice %arg4[%add3A_260, %dma_start3A_271] : memref<819200x32xf32, #tpu.memory_space<hbm>> -> memref<128x32xf32, #tpu.memory_space<hbm>>
      %dma_start3A_273 = arith.constant 0 : i32
      %dma_start3A_274 = arith.constant 0 : i32
      %dma_start3A_275 = tpu.memref_slice %arg6[%dma_start3A_261, %dma_start3A_273, %dma_start3A_274] : memref<8x128x32xf32, #tpu.memory_space<vmem>> -> memref<1x128x32xf32, #tpu.memory_space<vmem>>
      %dma_start3A_276 = tpu.memref_squeeze %dma_start3A_275 : memref<1x128x32xf32, #tpu.memory_space<vmem>> -> memref<128x32xf32, #tpu.memory_space<vmem>>
      tpu.enqueue_dma source(%dma_start3A_276 : memref<128x32xf32, #tpu.memory_space<vmem>>) target(%dma_start3A_272 : memref<128x32xf32, #tpu.memory_space<hbm>>) target_semaphore(%dma_start3A_270 : memref<!tpu.dma_semaphore, #tpu.memory_space<semaphore_mem>>)
      %add3A_277 = arith.constant 8 : i32
      %add3A_278 = arith.addi %add3A_243, %add3A_277 : i32
      %lt3A = arith.constant 200 : i32
      %lt3A_279 = arith.cmpi slt, %add3A_278, %lt3A : i32
      %convert_element_type3A = arith.extui %lt3A_279 : i1 to i32
      %cond3A = arith.constant 0 : i32
      %cond3A_280 = arith.constant 0 : i32
      %cond3A_281 = arith.constant 0 : i32
      %cond3A_282 = arith.cmpi ne, %convert_element_type3A, %cond3A_281 : i32
      scf.if %cond3A_282 {
        %dma_wait3A_591 = arith.constant 0 : i32
        %dma_wait3A_592 = arith.constant 0 : i32
        %dma_wait3A_593 = tpu.memref_slice %arg6[%cond3A, %dma_wait3A_591, %dma_wait3A_592] : memref<8x128x32xf32, #tpu.memory_space<vmem>> -> memref<1x128x32xf32, #tpu.memory_space<vmem>>
        %dma_wait3A_594 = tpu.memref_squeeze %dma_wait3A_593 : memref<1x128x32xf32, #tpu.memory_space<vmem>> -> memref<128x32xf32, #tpu.memory_space<vmem>>
        %dma_wait3A_595 = arith.constant 0 : i32
        %dma_wait3A_596 = tpu.memref_slice %arg4[%add3A_260, %dma_wait3A_595] : memref<819200x32xf32, #tpu.memory_space<hbm>> -> memref<128x32xf32, #tpu.memory_space<hbm>>
        %dma_wait3A_597 = tpu.memref_slice %arg8[%cond3A_280] : memref<8x!tpu.dma_semaphore, #tpu.memory_space<semaphore_mem>> -> memref<1x!tpu.dma_semaphore, #tpu.memory_space<semaphore_mem>>
        %dma_wait3A_598 = tpu.memref_squeeze %dma_wait3A_597 : memref<1x!tpu.dma_semaphore, #tpu.memory_space<semaphore_mem>> -> memref<!tpu.dma_semaphore, #tpu.memory_space<semaphore_mem>>
        %dma_wait3A_599 = arith.constant 0 : i32
        %dma_wait3A_600 = tpu.memref_slice %arg4[%add3A_260, %dma_wait3A_599] : memref<819200x32xf32, #tpu.memory_space<hbm>> -> memref<128x32xf32, #tpu.memory_space<hbm>>
        %dma_wait3A_601 = arith.constant 0 : i32
        %dma_wait3A_602 = arith.constant 0 : i32
        %dma_wait3A_603 = tpu.memref_slice %arg6[%cond3A, %dma_wait3A_601, %dma_wait3A_602] : memref<8x128x32xf32, #tpu.memory_space<vmem>> -> memref<1x128x32xf32, #tpu.memory_space<vmem>>
        %dma_wait3A_604 = tpu.memref_squeeze %dma_wait3A_603 : memref<1x128x32xf32, #tpu.memory_space<vmem>> -> memref<128x32xf32, #tpu.memory_space<vmem>>
        tpu.wait_dma2 semaphore(%dma_wait3A_598 : memref<!tpu.dma_semaphore, #tpu.memory_space<semaphore_mem>>) src(%dma_wait3A_604 : memref<128x32xf32, #tpu.memory_space<vmem>>) dst(%dma_wait3A_600 : memref<128x32xf32, #tpu.memory_space<hbm>>)
        %add3A_605 = arith.constant 8 : i32
        %add3A_606 = arith.addi %add3A_243, %add3A_605 : i32
        %mul3A_607 = arith.constant 128 : i32
        %mul3A_608 = arith.muli %add3A_606, %mul3A_607 : i32
        %dma_start3A_609 = arith.constant 0 : i32
        %dma_start3A_610 = arith.constant 0 : i32
        %dma_start3A_611 = arith.constant 0 : i32
        %dma_start3A_612 = arith.constant 0 : i32
        %dma_start3A_613 = tpu.memref_slice %arg6[%dma_start3A_609, %dma_start3A_611, %dma_start3A_612] : memref<8x128x32xf32, #tpu.memory_space<vmem>> -> memref<1x128x32xf32, #tpu.memory_space<vmem>>
        %dma_start3A_614 = tpu.memref_squeeze %dma_start3A_613 : memref<1x128x32xf32, #tpu.memory_space<vmem>> -> memref<128x32xf32, #tpu.memory_space<vmem>>
        %dma_start3A_615 = tpu.memref_slice %arg5[%mul3A_608] : memref<25600xi32, #tpu.memory_space<vmem>> -> memref<128xi32, #tpu.memory_space<vmem>>
        %dma_start3A_616 = arith.constant 0 : i32
        %dma_start3A_617 = arith.constant 0 : i32
        %dma_start3A_618 = tpu.memref_slice %arg2[%dma_start3A_616, %dma_start3A_617] : memref<1000000x32xf32, #tpu.memory_space<hbm>> -> memref<1000000x32xf32, #tpu.memory_space<hbm>>
        %dma_start3A_619 = tpu.memref_slice %arg7[%dma_start3A_610] : memref<8x!tpu.dma_semaphore, #tpu.memory_space<semaphore_mem>> -> memref<1x!tpu.dma_semaphore, #tpu.memory_space<semaphore_mem>>
        %dma_start3A_620 = tpu.memref_squeeze %dma_start3A_619 : memref<1x!tpu.dma_semaphore, #tpu.memory_space<semaphore_mem>> -> memref<!tpu.dma_semaphore, #tpu.memory_space<semaphore_mem>>
        tpu.enqueue_indirect_dma source(%dma_start3A_618 : memref<1000000x32xf32, #tpu.memory_space<hbm>>) target(%dma_start3A_614 : memref<128x32xf32, #tpu.memory_space<vmem>>) offsets(%dma_start3A_615 : memref<128xi32, #tpu.memory_space<vmem>>) semaphore(%dma_start3A_620 : memref<!tpu.dma_semaphore, #tpu.memory_space<semaphore_mem>>)
      } else {
      }
      %add3A_283 = arith.constant 1 : i32
      %add3A_284 = arith.addi %add3A_241, %add3A_283 : i32
      %mul3A_285 = arith.constant 128 : i32
      %mul3A_286 = arith.muli %add3A_284, %mul3A_285 : i32
      %dma_wait3A_287 = arith.constant 1 : i32
      %dma_wait3A_288 = arith.constant 1 : i32
      %dma_wait3A_289 = arith.constant 0 : i32
      %dma_wait3A_290 = arith.constant 0 : i32
      %dma_wait3A_291 = tpu.memref_slice %arg6[%dma_wait3A_287, %dma_wait3A_289, %dma_wait3A_290] : memref<8x128x32xf32, #tpu.memory_space<vmem>> -> memref<1x128x32xf32, #tpu.memory_space<vmem>>
      %dma_wait3A_292 = tpu.memref_squeeze %dma_wait3A_291 : memref<1x128x32xf32, #tpu.memory_space<vmem>> -> memref<128x32xf32, #tpu.memory_space<vmem>>
      %dma_wait3A_293 = tpu.memref_slice %arg5[%mul3A_286] : memref<25600xi32, #tpu.memory_space<vmem>> -> memref<128xi32, #tpu.memory_space<vmem>>
      %dma_wait3A_294 = arith.constant 0 : i32
      %dma_wait3A_295 = arith.constant 0 : i32
      %dma_wait3A_296 = tpu.memref_slice %arg2[%dma_wait3A_294, %dma_wait3A_295] : memref<1000000x32xf32, #tpu.memory_space<hbm>> -> memref<1000000x32xf32, #tpu.memory_space<hbm>>
      %dma_wait3A_297 = tpu.memref_slice %arg7[%dma_wait3A_288] : memref<8x!tpu.dma_semaphore, #tpu.memory_space<semaphore_mem>> -> memref<1x!tpu.dma_semaphore, #tpu.memory_space<semaphore_mem>>
      %dma_wait3A_298 = tpu.memref_squeeze %dma_wait3A_297 : memref<1x!tpu.dma_semaphore, #tpu.memory_space<semaphore_mem>> -> memref<!tpu.dma_semaphore, #tpu.memory_space<semaphore_mem>>
      tpu.wait_indirect_dma semaphore(%dma_wait3A_298 : memref<!tpu.dma_semaphore, #tpu.memory_space<semaphore_mem>>) src(%dma_wait3A_296 : memref<1000000x32xf32, #tpu.memory_space<hbm>>) dst(%dma_wait3A_292 : memref<128x32xf32, #tpu.memory_space<vmem>>)
      %mul3A_299 = arith.constant 128 : i32
      %mul3A_300 = arith.muli %add3A_284, %mul3A_299 : i32
      %add3A_301 = arith.addi %mul3A_2, %mul3A_300 : i32
      %dma_start3A_302 = arith.constant 1 : i32
      %dma_start3A_303 = arith.constant 1 : i32
      %dma_start3A_304 = arith.constant 0 : i32
      %dma_start3A_305 = arith.constant 0 : i32
      %dma_start3A_306 = tpu.memref_slice %arg6[%dma_start3A_302, %dma_start3A_304, %dma_start3A_305] : memref<8x128x32xf32, #tpu.memory_space<vmem>> -> memref<1x128x32xf32, #tpu.memory_space<vmem>>
      %dma_start3A_307 = tpu.memref_squeeze %dma_start3A_306 : memref<1x128x32xf32, #tpu.memory_space<vmem>> -> memref<128x32xf32, #tpu.memory_space<vmem>>
      %dma_start3A_308 = arith.constant 0 : i32
      %dma_start3A_309 = tpu.memref_slice %arg4[%add3A_301, %dma_start3A_308] : memref<819200x32xf32, #tpu.memory_space<hbm>> -> memref<128x32xf32, #tpu.memory_space<hbm>>
      %dma_start3A_310 = tpu.memref_slice %arg8[%dma_start3A_303] : memref<8x!tpu.dma_semaphore, #tpu.memory_space<semaphore_mem>> -> memref<1x!tpu.dma_semaphore, #tpu.memory_space<semaphore_mem>>
      %dma_start3A_311 = tpu.memref_squeeze %dma_start3A_310 : memref<1x!tpu.dma_semaphore, #tpu.memory_space<semaphore_mem>> -> memref<!tpu.dma_semaphore, #tpu.memory_space<semaphore_mem>>
      %dma_start3A_312 = arith.constant 0 : i32
      %dma_start3A_313 = tpu.memref_slice %arg4[%add3A_301, %dma_start3A_312] : memref<819200x32xf32, #tpu.memory_space<hbm>> -> memref<128x32xf32, #tpu.memory_space<hbm>>
      %dma_start3A_314 = arith.constant 0 : i32
      %dma_start3A_315 = arith.constant 0 : i32
      %dma_start3A_316 = tpu.memref_slice %arg6[%dma_start3A_302, %dma_start3A_314, %dma_start3A_315] : memref<8x128x32xf32, #tpu.memory_space<vmem>> -> memref<1x128x32xf32, #tpu.memory_space<vmem>>
      %dma_start3A_317 = tpu.memref_squeeze %dma_start3A_316 : memref<1x128x32xf32, #tpu.memory_space<vmem>> -> memref<128x32xf32, #tpu.memory_space<vmem>>
      tpu.enqueue_dma source(%dma_start3A_317 : memref<128x32xf32, #tpu.memory_space<vmem>>) target(%dma_start3A_313 : memref<128x32xf32, #tpu.memory_space<hbm>>) target_semaphore(%dma_start3A_311 : memref<!tpu.dma_semaphore, #tpu.memory_space<semaphore_mem>>)
      %add3A_318 = arith.constant 8 : i32
      %add3A_319 = arith.addi %add3A_284, %add3A_318 : i32
      %lt3A_320 = arith.constant 200 : i32
      %lt3A_321 = arith.cmpi slt, %add3A_319, %lt3A_320 : i32
      %convert_element_type3A_322 = arith.extui %lt3A_321 : i1 to i32
      %cond3A_323 = arith.constant 1 : i32
      %cond3A_324 = arith.constant 1 : i32
      %cond3A_325 = arith.constant 0 : i32
      %cond3A_326 = arith.cmpi ne, %convert_element_type3A_322, %cond3A_325 : i32
      scf.if %cond3A_326 {
        %dma_wait3A_591 = arith.constant 0 : i32
        %dma_wait3A_592 = arith.constant 0 : i32
        %dma_wait3A_593 = tpu.memref_slice %arg6[%cond3A_323, %dma_wait3A_591, %dma_wait3A_592] : memref<8x128x32xf32, #tpu.memory_space<vmem>> -> memref<1x128x32xf32, #tpu.memory_space<vmem>>
        %dma_wait3A_594 = tpu.memref_squeeze %dma_wait3A_593 : memref<1x128x32xf32, #tpu.memory_space<vmem>> -> memref<128x32xf32, #tpu.memory_space<vmem>>
        %dma_wait3A_595 = arith.constant 0 : i32
        %dma_wait3A_596 = tpu.memref_slice %arg4[%add3A_301, %dma_wait3A_595] : memref<819200x32xf32, #tpu.memory_space<hbm>> -> memref<128x32xf32, #tpu.memory_space<hbm>>
        %dma_wait3A_597 = tpu.memref_slice %arg8[%cond3A_324] : memref<8x!tpu.dma_semaphore, #tpu.memory_space<semaphore_mem>> -> memref<1x!tpu.dma_semaphore, #tpu.memory_space<semaphore_mem>>
        %dma_wait3A_598 = tpu.memref_squeeze %dma_wait3A_597 : memref<1x!tpu.dma_semaphore, #tpu.memory_space<semaphore_mem>> -> memref<!tpu.dma_semaphore, #tpu.memory_space<semaphore_mem>>
        %dma_wait3A_599 = arith.constant 0 : i32
        %dma_wait3A_600 = tpu.memref_slice %arg4[%add3A_301, %dma_wait3A_599] : memref<819200x32xf32, #tpu.memory_space<hbm>> -> memref<128x32xf32, #tpu.memory_space<hbm>>
        %dma_wait3A_601 = arith.constant 0 : i32
        %dma_wait3A_602 = arith.constant 0 : i32
        %dma_wait3A_603 = tpu.memref_slice %arg6[%cond3A_323, %dma_wait3A_601, %dma_wait3A_602] : memref<8x128x32xf32, #tpu.memory_space<vmem>> -> memref<1x128x32xf32, #tpu.memory_space<vmem>>
        %dma_wait3A_604 = tpu.memref_squeeze %dma_wait3A_603 : memref<1x128x32xf32, #tpu.memory_space<vmem>> -> memref<128x32xf32, #tpu.memory_space<vmem>>
        tpu.wait_dma2 semaphore(%dma_wait3A_598 : memref<!tpu.dma_semaphore, #tpu.memory_space<semaphore_mem>>) src(%dma_wait3A_604 : memref<128x32xf32, #tpu.memory_space<vmem>>) dst(%dma_wait3A_600 : memref<128x32xf32, #tpu.memory_space<hbm>>)
        %add3A_605 = arith.constant 8 : i32
        %add3A_606 = arith.addi %add3A_284, %add3A_605 : i32
        %mul3A_607 = arith.constant 128 : i32
        %mul3A_608 = arith.muli %add3A_606, %mul3A_607 : i32
        %dma_start3A_609 = arith.constant 1 : i32
        %dma_start3A_610 = arith.constant 1 : i32
        %dma_start3A_611 = arith.constant 0 : i32
        %dma_start3A_612 = arith.constant 0 : i32
        %dma_start3A_613 = tpu.memref_slice %arg6[%dma_start3A_609, %dma_start3A_611, %dma_start3A_612] : memref<8x128x32xf32, #tpu.memory_space<vmem>> -> memref<1x128x32xf32, #tpu.memory_space<vmem>>
        %dma_start3A_614 = tpu.memref_squeeze %dma_start3A_613 : memref<1x128x32xf32, #tpu.memory_space<vmem>> -> memref<128x32xf32, #tpu.memory_space<vmem>>
        %dma_start3A_615 = tpu.memref_slice %arg5[%mul3A_608] : memref<25600xi32, #tpu.memory_space<vmem>> -> memref<128xi32, #tpu.memory_space<vmem>>
        %dma_start3A_616 = arith.constant 0 : i32
        %dma_start3A_617 = arith.constant 0 : i32
        %dma_start3A_618 = tpu.memref_slice %arg2[%dma_start3A_616, %dma_start3A_617] : memref<1000000x32xf32, #tpu.memory_space<hbm>> -> memref<1000000x32xf32, #tpu.memory_space<hbm>>
        %dma_start3A_619 = tpu.memref_slice %arg7[%dma_start3A_610] : memref<8x!tpu.dma_semaphore, #tpu.memory_space<semaphore_mem>> -> memref<1x!tpu.dma_semaphore, #tpu.memory_space<semaphore_mem>>
        %dma_start3A_620 = tpu.memref_squeeze %dma_start3A_619 : memref<1x!tpu.dma_semaphore, #tpu.memory_space<semaphore_mem>> -> memref<!tpu.dma_semaphore, #tpu.memory_space<semaphore_mem>>
        tpu.enqueue_indirect_dma source(%dma_start3A_618 : memref<1000000x32xf32, #tpu.memory_space<hbm>>) target(%dma_start3A_614 : memref<128x32xf32, #tpu.memory_space<vmem>>) offsets(%dma_start3A_615 : memref<128xi32, #tpu.memory_space<vmem>>) semaphore(%dma_start3A_620 : memref<!tpu.dma_semaphore, #tpu.memory_space<semaphore_mem>>)
      } else {
      }
      %add3A_327 = arith.constant 2 : i32
      %add3A_328 = arith.addi %add3A_241, %add3A_327 : i32
      %mul3A_329 = arith.constant 128 : i32
      %mul3A_330 = arith.muli %add3A_328, %mul3A_329 : i32
      %dma_wait3A_331 = arith.constant 2 : i32
      %dma_wait3A_332 = arith.constant 2 : i32
      %dma_wait3A_333 = arith.constant 0 : i32
      %dma_wait3A_334 = arith.constant 0 : i32
      %dma_wait3A_335 = tpu.memref_slice %arg6[%dma_wait3A_331, %dma_wait3A_333, %dma_wait3A_334] : memref<8x128x32xf32, #tpu.memory_space<vmem>> -> memref<1x128x32xf32, #tpu.memory_space<vmem>>
      %dma_wait3A_336 = tpu.memref_squeeze %dma_wait3A_335 : memref<1x128x32xf32, #tpu.memory_space<vmem>> -> memref<128x32xf32, #tpu.memory_space<vmem>>
      %dma_wait3A_337 = tpu.memref_slice %arg5[%mul3A_330] : memref<25600xi32, #tpu.memory_space<vmem>> -> memref<128xi32, #tpu.memory_space<vmem>>
      %dma_wait3A_338 = arith.constant 0 : i32
      %dma_wait3A_339 = arith.constant 0 : i32
      %dma_wait3A_340 = tpu.memref_slice %arg2[%dma_wait3A_338, %dma_wait3A_339] : memref<1000000x32xf32, #tpu.memory_space<hbm>> -> memref<1000000x32xf32, #tpu.memory_space<hbm>>
      %dma_wait3A_341 = tpu.memref_slice %arg7[%dma_wait3A_332] : memref<8x!tpu.dma_semaphore, #tpu.memory_space<semaphore_mem>> -> memref<1x!tpu.dma_semaphore, #tpu.memory_space<semaphore_mem>>
      %dma_wait3A_342 = tpu.memref_squeeze %dma_wait3A_341 : memref<1x!tpu.dma_semaphore, #tpu.memory_space<semaphore_mem>> -> memref<!tpu.dma_semaphore, #tpu.memory_space<semaphore_mem>>
      tpu.wait_indirect_dma semaphore(%dma_wait3A_342 : memref<!tpu.dma_semaphore, #tpu.memory_space<semaphore_mem>>) src(%dma_wait3A_340 : memref<1000000x32xf32, #tpu.memory_space<hbm>>) dst(%dma_wait3A_336 : memref<128x32xf32, #tpu.memory_space<vmem>>)
      %mul3A_343 = arith.constant 128 : i32
      %mul3A_344 = arith.muli %add3A_328, %mul3A_343 : i32
      %add3A_345 = arith.addi %mul3A_2, %mul3A_344 : i32
      %dma_start3A_346 = arith.constant 2 : i32
      %dma_start3A_347 = arith.constant 2 : i32
      %dma_start3A_348 = arith.constant 0 : i32
      %dma_start3A_349 = arith.constant 0 : i32
      %dma_start3A_350 = tpu.memref_slice %arg6[%dma_start3A_346, %dma_start3A_348, %dma_start3A_349] : memref<8x128x32xf32, #tpu.memory_space<vmem>> -> memref<1x128x32xf32, #tpu.memory_space<vmem>>
      %dma_start3A_351 = tpu.memref_squeeze %dma_start3A_350 : memref<1x128x32xf32, #tpu.memory_space<vmem>> -> memref<128x32xf32, #tpu.memory_space<vmem>>
      %dma_start3A_352 = arith.constant 0 : i32
      %dma_start3A_353 = tpu.memref_slice %arg4[%add3A_345, %dma_start3A_352] : memref<819200x32xf32, #tpu.memory_space<hbm>> -> memref<128x32xf32, #tpu.memory_space<hbm>>
      %dma_start3A_354 = tpu.memref_slice %arg8[%dma_start3A_347] : memref<8x!tpu.dma_semaphore, #tpu.memory_space<semaphore_mem>> -> memref<1x!tpu.dma_semaphore, #tpu.memory_space<semaphore_mem>>
      %dma_start3A_355 = tpu.memref_squeeze %dma_start3A_354 : memref<1x!tpu.dma_semaphore, #tpu.memory_space<semaphore_mem>> -> memref<!tpu.dma_semaphore, #tpu.memory_space<semaphore_mem>>
      %dma_start3A_356 = arith.constant 0 : i32
      %dma_start3A_357 = tpu.memref_slice %arg4[%add3A_345, %dma_start3A_356] : memref<819200x32xf32, #tpu.memory_space<hbm>> -> memref<128x32xf32, #tpu.memory_space<hbm>>
      %dma_start3A_358 = arith.constant 0 : i32
      %dma_start3A_359 = arith.constant 0 : i32
      %dma_start3A_360 = tpu.memref_slice %arg6[%dma_start3A_346, %dma_start3A_358, %dma_start3A_359] : memref<8x128x32xf32, #tpu.memory_space<vmem>> -> memref<1x128x32xf32, #tpu.memory_space<vmem>>
      %dma_start3A_361 = tpu.memref_squeeze %dma_start3A_360 : memref<1x128x32xf32, #tpu.memory_space<vmem>> -> memref<128x32xf32, #tpu.memory_space<vmem>>
      tpu.enqueue_dma source(%dma_start3A_361 : memref<128x32xf32, #tpu.memory_space<vmem>>) target(%dma_start3A_357 : memref<128x32xf32, #tpu.memory_space<hbm>>) target_semaphore(%dma_start3A_355 : memref<!tpu.dma_semaphore, #tpu.memory_space<semaphore_mem>>)
      %add3A_362 = arith.constant 8 : i32
      %add3A_363 = arith.addi %add3A_328, %add3A_362 : i32
      %lt3A_364 = arith.constant 200 : i32
      %lt3A_365 = arith.cmpi slt, %add3A_363, %lt3A_364 : i32
      %convert_element_type3A_366 = arith.extui %lt3A_365 : i1 to i32
      %cond3A_367 = arith.constant 2 : i32
      %cond3A_368 = arith.constant 2 : i32
      %cond3A_369 = arith.constant 0 : i32
      %cond3A_370 = arith.cmpi ne, %convert_element_type3A_366, %cond3A_369 : i32
      scf.if %cond3A_370 {
        %dma_wait3A_591 = arith.constant 0 : i32
        %dma_wait3A_592 = arith.constant 0 : i32
        %dma_wait3A_593 = tpu.memref_slice %arg6[%cond3A_367, %dma_wait3A_591, %dma_wait3A_592] : memref<8x128x32xf32, #tpu.memory_space<vmem>> -> memref<1x128x32xf32, #tpu.memory_space<vmem>>
        %dma_wait3A_594 = tpu.memref_squeeze %dma_wait3A_593 : memref<1x128x32xf32, #tpu.memory_space<vmem>> -> memref<128x32xf32, #tpu.memory_space<vmem>>
        %dma_wait3A_595 = arith.constant 0 : i32
        %dma_wait3A_596 = tpu.memref_slice %arg4[%add3A_345, %dma_wait3A_595] : memref<819200x32xf32, #tpu.memory_space<hbm>> -> memref<128x32xf32, #tpu.memory_space<hbm>>
        %dma_wait3A_597 = tpu.memref_slice %arg8[%cond3A_368] : memref<8x!tpu.dma_semaphore, #tpu.memory_space<semaphore_mem>> -> memref<1x!tpu.dma_semaphore, #tpu.memory_space<semaphore_mem>>
        %dma_wait3A_598 = tpu.memref_squeeze %dma_wait3A_597 : memref<1x!tpu.dma_semaphore, #tpu.memory_space<semaphore_mem>> -> memref<!tpu.dma_semaphore, #tpu.memory_space<semaphore_mem>>
        %dma_wait3A_599 = arith.constant 0 : i32
        %dma_wait3A_600 = tpu.memref_slice %arg4[%add3A_345, %dma_wait3A_599] : memref<819200x32xf32, #tpu.memory_space<hbm>> -> memref<128x32xf32, #tpu.memory_space<hbm>>
        %dma_wait3A_601 = arith.constant 0 : i32
        %dma_wait3A_602 = arith.constant 0 : i32
        %dma_wait3A_603 = tpu.memref_slice %arg6[%cond3A_367, %dma_wait3A_601, %dma_wait3A_602] : memref<8x128x32xf32, #tpu.memory_space<vmem>> -> memref<1x128x32xf32, #tpu.memory_space<vmem>>
        %dma_wait3A_604 = tpu.memref_squeeze %dma_wait3A_603 : memref<1x128x32xf32, #tpu.memory_space<vmem>> -> memref<128x32xf32, #tpu.memory_space<vmem>>
        tpu.wait_dma2 semaphore(%dma_wait3A_598 : memref<!tpu.dma_semaphore, #tpu.memory_space<semaphore_mem>>) src(%dma_wait3A_604 : memref<128x32xf32, #tpu.memory_space<vmem>>) dst(%dma_wait3A_600 : memref<128x32xf32, #tpu.memory_space<hbm>>)
        %add3A_605 = arith.constant 8 : i32
        %add3A_606 = arith.addi %add3A_328, %add3A_605 : i32
        %mul3A_607 = arith.constant 128 : i32
        %mul3A_608 = arith.muli %add3A_606, %mul3A_607 : i32
        %dma_start3A_609 = arith.constant 2 : i32
        %dma_start3A_610 = arith.constant 2 : i32
        %dma_start3A_611 = arith.constant 0 : i32
        %dma_start3A_612 = arith.constant 0 : i32
        %dma_start3A_613 = tpu.memref_slice %arg6[%dma_start3A_609, %dma_start3A_611, %dma_start3A_612] : memref<8x128x32xf32, #tpu.memory_space<vmem>> -> memref<1x128x32xf32, #tpu.memory_space<vmem>>
        %dma_start3A_614 = tpu.memref_squeeze %dma_start3A_613 : memref<1x128x32xf32, #tpu.memory_space<vmem>> -> memref<128x32xf32, #tpu.memory_space<vmem>>
        %dma_start3A_615 = tpu.memref_slice %arg5[%mul3A_608] : memref<25600xi32, #tpu.memory_space<vmem>> -> memref<128xi32, #tpu.memory_space<vmem>>
        %dma_start3A_616 = arith.constant 0 : i32
        %dma_start3A_617 = arith.constant 0 : i32
        %dma_start3A_618 = tpu.memref_slice %arg2[%dma_start3A_616, %dma_start3A_617] : memref<1000000x32xf32, #tpu.memory_space<hbm>> -> memref<1000000x32xf32, #tpu.memory_space<hbm>>
        %dma_start3A_619 = tpu.memref_slice %arg7[%dma_start3A_610] : memref<8x!tpu.dma_semaphore, #tpu.memory_space<semaphore_mem>> -> memref<1x!tpu.dma_semaphore, #tpu.memory_space<semaphore_mem>>
        %dma_start3A_620 = tpu.memref_squeeze %dma_start3A_619 : memref<1x!tpu.dma_semaphore, #tpu.memory_space<semaphore_mem>> -> memref<!tpu.dma_semaphore, #tpu.memory_space<semaphore_mem>>
        tpu.enqueue_indirect_dma source(%dma_start3A_618 : memref<1000000x32xf32, #tpu.memory_space<hbm>>) target(%dma_start3A_614 : memref<128x32xf32, #tpu.memory_space<vmem>>) offsets(%dma_start3A_615 : memref<128xi32, #tpu.memory_space<vmem>>) semaphore(%dma_start3A_620 : memref<!tpu.dma_semaphore, #tpu.memory_space<semaphore_mem>>)
      } else {
      }
      %add3A_371 = arith.constant 3 : i32
      %add3A_372 = arith.addi %add3A_241, %add3A_371 : i32
      %mul3A_373 = arith.constant 128 : i32
      %mul3A_374 = arith.muli %add3A_372, %mul3A_373 : i32
      %dma_wait3A_375 = arith.constant 3 : i32
      %dma_wait3A_376 = arith.constant 3 : i32
      %dma_wait3A_377 = arith.constant 0 : i32
      %dma_wait3A_378 = arith.constant 0 : i32
      %dma_wait3A_379 = tpu.memref_slice %arg6[%dma_wait3A_375, %dma_wait3A_377, %dma_wait3A_378] : memref<8x128x32xf32, #tpu.memory_space<vmem>> -> memref<1x128x32xf32, #tpu.memory_space<vmem>>
      %dma_wait3A_380 = tpu.memref_squeeze %dma_wait3A_379 : memref<1x128x32xf32, #tpu.memory_space<vmem>> -> memref<128x32xf32, #tpu.memory_space<vmem>>
      %dma_wait3A_381 = tpu.memref_slice %arg5[%mul3A_374] : memref<25600xi32, #tpu.memory_space<vmem>> -> memref<128xi32, #tpu.memory_space<vmem>>
      %dma_wait3A_382 = arith.constant 0 : i32
      %dma_wait3A_383 = arith.constant 0 : i32
      %dma_wait3A_384 = tpu.memref_slice %arg2[%dma_wait3A_382, %dma_wait3A_383] : memref<1000000x32xf32, #tpu.memory_space<hbm>> -> memref<1000000x32xf32, #tpu.memory_space<hbm>>
      %dma_wait3A_385 = tpu.memref_slice %arg7[%dma_wait3A_376] : memref<8x!tpu.dma_semaphore, #tpu.memory_space<semaphore_mem>> -> memref<1x!tpu.dma_semaphore, #tpu.memory_space<semaphore_mem>>
      %dma_wait3A_386 = tpu.memref_squeeze %dma_wait3A_385 : memref<1x!tpu.dma_semaphore, #tpu.memory_space<semaphore_mem>> -> memref<!tpu.dma_semaphore, #tpu.memory_space<semaphore_mem>>
      tpu.wait_indirect_dma semaphore(%dma_wait3A_386 : memref<!tpu.dma_semaphore, #tpu.memory_space<semaphore_mem>>) src(%dma_wait3A_384 : memref<1000000x32xf32, #tpu.memory_space<hbm>>) dst(%dma_wait3A_380 : memref<128x32xf32, #tpu.memory_space<vmem>>)
      %mul3A_387 = arith.constant 128 : i32
      %mul3A_388 = arith.muli %add3A_372, %mul3A_387 : i32
      %add3A_389 = arith.addi %mul3A_2, %mul3A_388 : i32
      %dma_start3A_390 = arith.constant 3 : i32
      %dma_start3A_391 = arith.constant 3 : i32
      %dma_start3A_392 = arith.constant 0 : i32
      %dma_start3A_393 = arith.constant 0 : i32
      %dma_start3A_394 = tpu.memref_slice %arg6[%dma_start3A_390, %dma_start3A_392, %dma_start3A_393] : memref<8x128x32xf32, #tpu.memory_space<vmem>> -> memref<1x128x32xf32, #tpu.memory_space<vmem>>
      %dma_start3A_395 = tpu.memref_squeeze %dma_start3A_394 : memref<1x128x32xf32, #tpu.memory_space<vmem>> -> memref<128x32xf32, #tpu.memory_space<vmem>>
      %dma_start3A_396 = arith.constant 0 : i32
      %dma_start3A_397 = tpu.memref_slice %arg4[%add3A_389, %dma_start3A_396] : memref<819200x32xf32, #tpu.memory_space<hbm>> -> memref<128x32xf32, #tpu.memory_space<hbm>>
      %dma_start3A_398 = tpu.memref_slice %arg8[%dma_start3A_391] : memref<8x!tpu.dma_semaphore, #tpu.memory_space<semaphore_mem>> -> memref<1x!tpu.dma_semaphore, #tpu.memory_space<semaphore_mem>>
      %dma_start3A_399 = tpu.memref_squeeze %dma_start3A_398 : memref<1x!tpu.dma_semaphore, #tpu.memory_space<semaphore_mem>> -> memref<!tpu.dma_semaphore, #tpu.memory_space<semaphore_mem>>
      %dma_start3A_400 = arith.constant 0 : i32
      %dma_start3A_401 = tpu.memref_slice %arg4[%add3A_389, %dma_start3A_400] : memref<819200x32xf32, #tpu.memory_space<hbm>> -> memref<128x32xf32, #tpu.memory_space<hbm>>
      %dma_start3A_402 = arith.constant 0 : i32
      %dma_start3A_403 = arith.constant 0 : i32
      %dma_start3A_404 = tpu.memref_slice %arg6[%dma_start3A_390, %dma_start3A_402, %dma_start3A_403] : memref<8x128x32xf32, #tpu.memory_space<vmem>> -> memref<1x128x32xf32, #tpu.memory_space<vmem>>
      %dma_start3A_405 = tpu.memref_squeeze %dma_start3A_404 : memref<1x128x32xf32, #tpu.memory_space<vmem>> -> memref<128x32xf32, #tpu.memory_space<vmem>>
      tpu.enqueue_dma source(%dma_start3A_405 : memref<128x32xf32, #tpu.memory_space<vmem>>) target(%dma_start3A_401 : memref<128x32xf32, #tpu.memory_space<hbm>>) target_semaphore(%dma_start3A_399 : memref<!tpu.dma_semaphore, #tpu.memory_space<semaphore_mem>>)
      %add3A_406 = arith.constant 8 : i32
      %add3A_407 = arith.addi %add3A_372, %add3A_406 : i32
      %lt3A_408 = arith.constant 200 : i32
      %lt3A_409 = arith.cmpi slt, %add3A_407, %lt3A_408 : i32
      %convert_element_type3A_410 = arith.extui %lt3A_409 : i1 to i32
      %cond3A_411 = arith.constant 3 : i32
      %cond3A_412 = arith.constant 3 : i32
      %cond3A_413 = arith.constant 0 : i32
      %cond3A_414 = arith.cmpi ne, %convert_element_type3A_410, %cond3A_413 : i32
      scf.if %cond3A_414 {
        %dma_wait3A_591 = arith.constant 0 : i32
        %dma_wait3A_592 = arith.constant 0 : i32
        %dma_wait3A_593 = tpu.memref_slice %arg6[%cond3A_411, %dma_wait3A_591, %dma_wait3A_592] : memref<8x128x32xf32, #tpu.memory_space<vmem>> -> memref<1x128x32xf32, #tpu.memory_space<vmem>>
        %dma_wait3A_594 = tpu.memref_squeeze %dma_wait3A_593 : memref<1x128x32xf32, #tpu.memory_space<vmem>> -> memref<128x32xf32, #tpu.memory_space<vmem>>
        %dma_wait3A_595 = arith.constant 0 : i32
        %dma_wait3A_596 = tpu.memref_slice %arg4[%add3A_389, %dma_wait3A_595] : memref<819200x32xf32, #tpu.memory_space<hbm>> -> memref<128x32xf32, #tpu.memory_space<hbm>>
        %dma_wait3A_597 = tpu.memref_slice %arg8[%cond3A_412] : memref<8x!tpu.dma_semaphore, #tpu.memory_space<semaphore_mem>> -> memref<1x!tpu.dma_semaphore, #tpu.memory_space<semaphore_mem>>
        %dma_wait3A_598 = tpu.memref_squeeze %dma_wait3A_597 : memref<1x!tpu.dma_semaphore, #tpu.memory_space<semaphore_mem>> -> memref<!tpu.dma_semaphore, #tpu.memory_space<semaphore_mem>>
        %dma_wait3A_599 = arith.constant 0 : i32
        %dma_wait3A_600 = tpu.memref_slice %arg4[%add3A_389, %dma_wait3A_599] : memref<819200x32xf32, #tpu.memory_space<hbm>> -> memref<128x32xf32, #tpu.memory_space<hbm>>
        %dma_wait3A_601 = arith.constant 0 : i32
        %dma_wait3A_602 = arith.constant 0 : i32
        %dma_wait3A_603 = tpu.memref_slice %arg6[%cond3A_411, %dma_wait3A_601, %dma_wait3A_602] : memref<8x128x32xf32, #tpu.memory_space<vmem>> -> memref<1x128x32xf32, #tpu.memory_space<vmem>>
        %dma_wait3A_604 = tpu.memref_squeeze %dma_wait3A_603 : memref<1x128x32xf32, #tpu.memory_space<vmem>> -> memref<128x32xf32, #tpu.memory_space<vmem>>
        tpu.wait_dma2 semaphore(%dma_wait3A_598 : memref<!tpu.dma_semaphore, #tpu.memory_space<semaphore_mem>>) src(%dma_wait3A_604 : memref<128x32xf32, #tpu.memory_space<vmem>>) dst(%dma_wait3A_600 : memref<128x32xf32, #tpu.memory_space<hbm>>)
        %add3A_605 = arith.constant 8 : i32
        %add3A_606 = arith.addi %add3A_372, %add3A_605 : i32
        %mul3A_607 = arith.constant 128 : i32
        %mul3A_608 = arith.muli %add3A_606, %mul3A_607 : i32
        %dma_start3A_609 = arith.constant 3 : i32
        %dma_start3A_610 = arith.constant 3 : i32
        %dma_start3A_611 = arith.constant 0 : i32
        %dma_start3A_612 = arith.constant 0 : i32
        %dma_start3A_613 = tpu.memref_slice %arg6[%dma_start3A_609, %dma_start3A_611, %dma_start3A_612] : memref<8x128x32xf32, #tpu.memory_space<vmem>> -> memref<1x128x32xf32, #tpu.memory_space<vmem>>
        %dma_start3A_614 = tpu.memref_squeeze %dma_start3A_613 : memref<1x128x32xf32, #tpu.memory_space<vmem>> -> memref<128x32xf32, #tpu.memory_space<vmem>>
        %dma_start3A_615 = tpu.memref_slice %arg5[%mul3A_608] : memref<25600xi32, #tpu.memory_space<vmem>> -> memref<128xi32, #tpu.memory_space<vmem>>
        %dma_start3A_616 = arith.constant 0 : i32
        %dma_start3A_617 = arith.constant 0 : i32
        %dma_start3A_618 = tpu.memref_slice %arg2[%dma_start3A_616, %dma_start3A_617] : memref<1000000x32xf32, #tpu.memory_space<hbm>> -> memref<1000000x32xf32, #tpu.memory_space<hbm>>
        %dma_start3A_619 = tpu.memref_slice %arg7[%dma_start3A_610] : memref<8x!tpu.dma_semaphore, #tpu.memory_space<semaphore_mem>> -> memref<1x!tpu.dma_semaphore, #tpu.memory_space<semaphore_mem>>
        %dma_start3A_620 = tpu.memref_squeeze %dma_start3A_619 : memref<1x!tpu.dma_semaphore, #tpu.memory_space<semaphore_mem>> -> memref<!tpu.dma_semaphore, #tpu.memory_space<semaphore_mem>>
        tpu.enqueue_indirect_dma source(%dma_start3A_618 : memref<1000000x32xf32, #tpu.memory_space<hbm>>) target(%dma_start3A_614 : memref<128x32xf32, #tpu.memory_space<vmem>>) offsets(%dma_start3A_615 : memref<128xi32, #tpu.memory_space<vmem>>) semaphore(%dma_start3A_620 : memref<!tpu.dma_semaphore, #tpu.memory_space<semaphore_mem>>)
      } else {
      }
      %add3A_415 = arith.constant 4 : i32
      %add3A_416 = arith.addi %add3A_241, %add3A_415 : i32
      %mul3A_417 = arith.constant 128 : i32
      %mul3A_418 = arith.muli %add3A_416, %mul3A_417 : i32
      %dma_wait3A_419 = arith.constant 4 : i32
      %dma_wait3A_420 = arith.constant 4 : i32
      %dma_wait3A_421 = arith.constant 0 : i32
      %dma_wait3A_422 = arith.constant 0 : i32
      %dma_wait3A_423 = tpu.memref_slice %arg6[%dma_wait3A_419, %dma_wait3A_421, %dma_wait3A_422] : memref<8x128x32xf32, #tpu.memory_space<vmem>> -> memref<1x128x32xf32, #tpu.memory_space<vmem>>
      %dma_wait3A_424 = tpu.memref_squeeze %dma_wait3A_423 : memref<1x128x32xf32, #tpu.memory_space<vmem>> -> memref<128x32xf32, #tpu.memory_space<vmem>>
      %dma_wait3A_425 = tpu.memref_slice %arg5[%mul3A_418] : memref<25600xi32, #tpu.memory_space<vmem>> -> memref<128xi32, #tpu.memory_space<vmem>>
      %dma_wait3A_426 = arith.constant 0 : i32
      %dma_wait3A_427 = arith.constant 0 : i32
      %dma_wait3A_428 = tpu.memref_slice %arg2[%dma_wait3A_426, %dma_wait3A_427] : memref<1000000x32xf32, #tpu.memory_space<hbm>> -> memref<1000000x32xf32, #tpu.memory_space<hbm>>
      %dma_wait3A_429 = tpu.memref_slice %arg7[%dma_wait3A_420] : memref<8x!tpu.dma_semaphore, #tpu.memory_space<semaphore_mem>> -> memref<1x!tpu.dma_semaphore, #tpu.memory_space<semaphore_mem>>
      %dma_wait3A_430 = tpu.memref_squeeze %dma_wait3A_429 : memref<1x!tpu.dma_semaphore, #tpu.memory_space<semaphore_mem>> -> memref<!tpu.dma_semaphore, #tpu.memory_space<semaphore_mem>>
      tpu.wait_indirect_dma semaphore(%dma_wait3A_430 : memref<!tpu.dma_semaphore, #tpu.memory_space<semaphore_mem>>) src(%dma_wait3A_428 : memref<1000000x32xf32, #tpu.memory_space<hbm>>) dst(%dma_wait3A_424 : memref<128x32xf32, #tpu.memory_space<vmem>>)
      %mul3A_431 = arith.constant 128 : i32
      %mul3A_432 = arith.muli %add3A_416, %mul3A_431 : i32
      %add3A_433 = arith.addi %mul3A_2, %mul3A_432 : i32
      %dma_start3A_434 = arith.constant 4 : i32
      %dma_start3A_435 = arith.constant 4 : i32
      %dma_start3A_436 = arith.constant 0 : i32
      %dma_start3A_437 = arith.constant 0 : i32
      %dma_start3A_438 = tpu.memref_slice %arg6[%dma_start3A_434, %dma_start3A_436, %dma_start3A_437] : memref<8x128x32xf32, #tpu.memory_space<vmem>> -> memref<1x128x32xf32, #tpu.memory_space<vmem>>
      %dma_start3A_439 = tpu.memref_squeeze %dma_start3A_438 : memref<1x128x32xf32, #tpu.memory_space<vmem>> -> memref<128x32xf32, #tpu.memory_space<vmem>>
      %dma_start3A_440 = arith.constant 0 : i32
      %dma_start3A_441 = tpu.memref_slice %arg4[%add3A_433, %dma_start3A_440] : memref<819200x32xf32, #tpu.memory_space<hbm>> -> memref<128x32xf32, #tpu.memory_space<hbm>>
      %dma_start3A_442 = tpu.memref_slice %arg8[%dma_start3A_435] : memref<8x!tpu.dma_semaphore, #tpu.memory_space<semaphore_mem>> -> memref<1x!tpu.dma_semaphore, #tpu.memory_space<semaphore_mem>>
      %dma_start3A_443 = tpu.memref_squeeze %dma_start3A_442 : memref<1x!tpu.dma_semaphore, #tpu.memory_space<semaphore_mem>> -> memref<!tpu.dma_semaphore, #tpu.memory_space<semaphore_mem>>
      %dma_start3A_444 = arith.constant 0 : i32
      %dma_start3A_445 = tpu.memref_slice %arg4[%add3A_433, %dma_start3A_444] : memref<819200x32xf32, #tpu.memory_space<hbm>> -> memref<128x32xf32, #tpu.memory_space<hbm>>
      %dma_start3A_446 = arith.constant 0 : i32
      %dma_start3A_447 = arith.constant 0 : i32
      %dma_start3A_448 = tpu.memref_slice %arg6[%dma_start3A_434, %dma_start3A_446, %dma_start3A_447] : memref<8x128x32xf32, #tpu.memory_space<vmem>> -> memref<1x128x32xf32, #tpu.memory_space<vmem>>
      %dma_start3A_449 = tpu.memref_squeeze %dma_start3A_448 : memref<1x128x32xf32, #tpu.memory_space<vmem>> -> memref<128x32xf32, #tpu.memory_space<vmem>>
      tpu.enqueue_dma source(%dma_start3A_449 : memref<128x32xf32, #tpu.memory_space<vmem>>) target(%dma_start3A_445 : memref<128x32xf32, #tpu.memory_space<hbm>>) target_semaphore(%dma_start3A_443 : memref<!tpu.dma_semaphore, #tpu.memory_space<semaphore_mem>>)
      %add3A_450 = arith.constant 8 : i32
      %add3A_451 = arith.addi %add3A_416, %add3A_450 : i32
      %lt3A_452 = arith.constant 200 : i32
      %lt3A_453 = arith.cmpi slt, %add3A_451, %lt3A_452 : i32
      %convert_element_type3A_454 = arith.extui %lt3A_453 : i1 to i32
      %cond3A_455 = arith.constant 4 : i32
      %cond3A_456 = arith.constant 4 : i32
      %cond3A_457 = arith.constant 0 : i32
      %cond3A_458 = arith.cmpi ne, %convert_element_type3A_454, %cond3A_457 : i32
      scf.if %cond3A_458 {
        %dma_wait3A_591 = arith.constant 0 : i32
        %dma_wait3A_592 = arith.constant 0 : i32
        %dma_wait3A_593 = tpu.memref_slice %arg6[%cond3A_455, %dma_wait3A_591, %dma_wait3A_592] : memref<8x128x32xf32, #tpu.memory_space<vmem>> -> memref<1x128x32xf32, #tpu.memory_space<vmem>>
        %dma_wait3A_594 = tpu.memref_squeeze %dma_wait3A_593 : memref<1x128x32xf32, #tpu.memory_space<vmem>> -> memref<128x32xf32, #tpu.memory_space<vmem>>
        %dma_wait3A_595 = arith.constant 0 : i32
        %dma_wait3A_596 = tpu.memref_slice %arg4[%add3A_433, %dma_wait3A_595] : memref<819200x32xf32, #tpu.memory_space<hbm>> -> memref<128x32xf32, #tpu.memory_space<hbm>>
        %dma_wait3A_597 = tpu.memref_slice %arg8[%cond3A_456] : memref<8x!tpu.dma_semaphore, #tpu.memory_space<semaphore_mem>> -> memref<1x!tpu.dma_semaphore, #tpu.memory_space<semaphore_mem>>
        %dma_wait3A_598 = tpu.memref_squeeze %dma_wait3A_597 : memref<1x!tpu.dma_semaphore, #tpu.memory_space<semaphore_mem>> -> memref<!tpu.dma_semaphore, #tpu.memory_space<semaphore_mem>>
        %dma_wait3A_599 = arith.constant 0 : i32
        %dma_wait3A_600 = tpu.memref_slice %arg4[%add3A_433, %dma_wait3A_599] : memref<819200x32xf32, #tpu.memory_space<hbm>> -> memref<128x32xf32, #tpu.memory_space<hbm>>
        %dma_wait3A_601 = arith.constant 0 : i32
        %dma_wait3A_602 = arith.constant 0 : i32
        %dma_wait3A_603 = tpu.memref_slice %arg6[%cond3A_455, %dma_wait3A_601, %dma_wait3A_602] : memref<8x128x32xf32, #tpu.memory_space<vmem>> -> memref<1x128x32xf32, #tpu.memory_space<vmem>>
        %dma_wait3A_604 = tpu.memref_squeeze %dma_wait3A_603 : memref<1x128x32xf32, #tpu.memory_space<vmem>> -> memref<128x32xf32, #tpu.memory_space<vmem>>
        tpu.wait_dma2 semaphore(%dma_wait3A_598 : memref<!tpu.dma_semaphore, #tpu.memory_space<semaphore_mem>>) src(%dma_wait3A_604 : memref<128x32xf32, #tpu.memory_space<vmem>>) dst(%dma_wait3A_600 : memref<128x32xf32, #tpu.memory_space<hbm>>)
        %add3A_605 = arith.constant 8 : i32
        %add3A_606 = arith.addi %add3A_416, %add3A_605 : i32
        %mul3A_607 = arith.constant 128 : i32
        %mul3A_608 = arith.muli %add3A_606, %mul3A_607 : i32
        %dma_start3A_609 = arith.constant 4 : i32
        %dma_start3A_610 = arith.constant 4 : i32
        %dma_start3A_611 = arith.constant 0 : i32
        %dma_start3A_612 = arith.constant 0 : i32
        %dma_start3A_613 = tpu.memref_slice %arg6[%dma_start3A_609, %dma_start3A_611, %dma_start3A_612] : memref<8x128x32xf32, #tpu.memory_space<vmem>> -> memref<1x128x32xf32, #tpu.memory_space<vmem>>
        %dma_start3A_614 = tpu.memref_squeeze %dma_start3A_613 : memref<1x128x32xf32, #tpu.memory_space<vmem>> -> memref<128x32xf32, #tpu.memory_space<vmem>>
        %dma_start3A_615 = tpu.memref_slice %arg5[%mul3A_608] : memref<25600xi32, #tpu.memory_space<vmem>> -> memref<128xi32, #tpu.memory_space<vmem>>
        %dma_start3A_616 = arith.constant 0 : i32
        %dma_start3A_617 = arith.constant 0 : i32
        %dma_start3A_618 = tpu.memref_slice %arg2[%dma_start3A_616, %dma_start3A_617] : memref<1000000x32xf32, #tpu.memory_space<hbm>> -> memref<1000000x32xf32, #tpu.memory_space<hbm>>
        %dma_start3A_619 = tpu.memref_slice %arg7[%dma_start3A_610] : memref<8x!tpu.dma_semaphore, #tpu.memory_space<semaphore_mem>> -> memref<1x!tpu.dma_semaphore, #tpu.memory_space<semaphore_mem>>
        %dma_start3A_620 = tpu.memref_squeeze %dma_start3A_619 : memref<1x!tpu.dma_semaphore, #tpu.memory_space<semaphore_mem>> -> memref<!tpu.dma_semaphore, #tpu.memory_space<semaphore_mem>>
        tpu.enqueue_indirect_dma source(%dma_start3A_618 : memref<1000000x32xf32, #tpu.memory_space<hbm>>) target(%dma_start3A_614 : memref<128x32xf32, #tpu.memory_space<vmem>>) offsets(%dma_start3A_615 : memref<128xi32, #tpu.memory_space<vmem>>) semaphore(%dma_start3A_620 : memref<!tpu.dma_semaphore, #tpu.memory_space<semaphore_mem>>)
      } else {
      }
      %add3A_459 = arith.constant 5 : i32
      %add3A_460 = arith.addi %add3A_241, %add3A_459 : i32
      %mul3A_461 = arith.constant 128 : i32
      %mul3A_462 = arith.muli %add3A_460, %mul3A_461 : i32
      %dma_wait3A_463 = arith.constant 5 : i32
      %dma_wait3A_464 = arith.constant 5 : i32
      %dma_wait3A_465 = arith.constant 0 : i32
      %dma_wait3A_466 = arith.constant 0 : i32
      %dma_wait3A_467 = tpu.memref_slice %arg6[%dma_wait3A_463, %dma_wait3A_465, %dma_wait3A_466] : memref<8x128x32xf32, #tpu.memory_space<vmem>> -> memref<1x128x32xf32, #tpu.memory_space<vmem>>
      %dma_wait3A_468 = tpu.memref_squeeze %dma_wait3A_467 : memref<1x128x32xf32, #tpu.memory_space<vmem>> -> memref<128x32xf32, #tpu.memory_space<vmem>>
      %dma_wait3A_469 = tpu.memref_slice %arg5[%mul3A_462] : memref<25600xi32, #tpu.memory_space<vmem>> -> memref<128xi32, #tpu.memory_space<vmem>>
      %dma_wait3A_470 = arith.constant 0 : i32
      %dma_wait3A_471 = arith.constant 0 : i32
      %dma_wait3A_472 = tpu.memref_slice %arg2[%dma_wait3A_470, %dma_wait3A_471] : memref<1000000x32xf32, #tpu.memory_space<hbm>> -> memref<1000000x32xf32, #tpu.memory_space<hbm>>
      %dma_wait3A_473 = tpu.memref_slice %arg7[%dma_wait3A_464] : memref<8x!tpu.dma_semaphore, #tpu.memory_space<semaphore_mem>> -> memref<1x!tpu.dma_semaphore, #tpu.memory_space<semaphore_mem>>
      %dma_wait3A_474 = tpu.memref_squeeze %dma_wait3A_473 : memref<1x!tpu.dma_semaphore, #tpu.memory_space<semaphore_mem>> -> memref<!tpu.dma_semaphore, #tpu.memory_space<semaphore_mem>>
      tpu.wait_indirect_dma semaphore(%dma_wait3A_474 : memref<!tpu.dma_semaphore, #tpu.memory_space<semaphore_mem>>) src(%dma_wait3A_472 : memref<1000000x32xf32, #tpu.memory_space<hbm>>) dst(%dma_wait3A_468 : memref<128x32xf32, #tpu.memory_space<vmem>>)
      %mul3A_475 = arith.constant 128 : i32
      %mul3A_476 = arith.muli %add3A_460, %mul3A_475 : i32
      %add3A_477 = arith.addi %mul3A_2, %mul3A_476 : i32
      %dma_start3A_478 = arith.constant 5 : i32
      %dma_start3A_479 = arith.constant 5 : i32
      %dma_start3A_480 = arith.constant 0 : i32
      %dma_start3A_481 = arith.constant 0 : i32
      %dma_start3A_482 = tpu.memref_slice %arg6[%dma_start3A_478, %dma_start3A_480, %dma_start3A_481] : memref<8x128x32xf32, #tpu.memory_space<vmem>> -> memref<1x128x32xf32, #tpu.memory_space<vmem>>
      %dma_start3A_483 = tpu.memref_squeeze %dma_start3A_482 : memref<1x128x32xf32, #tpu.memory_space<vmem>> -> memref<128x32xf32, #tpu.memory_space<vmem>>
      %dma_start3A_484 = arith.constant 0 : i32
      %dma_start3A_485 = tpu.memref_slice %arg4[%add3A_477, %dma_start3A_484] : memref<819200x32xf32, #tpu.memory_space<hbm>> -> memref<128x32xf32, #tpu.memory_space<hbm>>
      %dma_start3A_486 = tpu.memref_slice %arg8[%dma_start3A_479] : memref<8x!tpu.dma_semaphore, #tpu.memory_space<semaphore_mem>> -> memref<1x!tpu.dma_semaphore, #tpu.memory_space<semaphore_mem>>
      %dma_start3A_487 = tpu.memref_squeeze %dma_start3A_486 : memref<1x!tpu.dma_semaphore, #tpu.memory_space<semaphore_mem>> -> memref<!tpu.dma_semaphore, #tpu.memory_space<semaphore_mem>>
      %dma_start3A_488 = arith.constant 0 : i32
      %dma_start3A_489 = tpu.memref_slice %arg4[%add3A_477, %dma_start3A_488] : memref<819200x32xf32, #tpu.memory_space<hbm>> -> memref<128x32xf32, #tpu.memory_space<hbm>>
      %dma_start3A_490 = arith.constant 0 : i32
      %dma_start3A_491 = arith.constant 0 : i32
      %dma_start3A_492 = tpu.memref_slice %arg6[%dma_start3A_478, %dma_start3A_490, %dma_start3A_491] : memref<8x128x32xf32, #tpu.memory_space<vmem>> -> memref<1x128x32xf32, #tpu.memory_space<vmem>>
      %dma_start3A_493 = tpu.memref_squeeze %dma_start3A_492 : memref<1x128x32xf32, #tpu.memory_space<vmem>> -> memref<128x32xf32, #tpu.memory_space<vmem>>
      tpu.enqueue_dma source(%dma_start3A_493 : memref<128x32xf32, #tpu.memory_space<vmem>>) target(%dma_start3A_489 : memref<128x32xf32, #tpu.memory_space<hbm>>) target_semaphore(%dma_start3A_487 : memref<!tpu.dma_semaphore, #tpu.memory_space<semaphore_mem>>)
      %add3A_494 = arith.constant 8 : i32
      %add3A_495 = arith.addi %add3A_460, %add3A_494 : i32
      %lt3A_496 = arith.constant 200 : i32
      %lt3A_497 = arith.cmpi slt, %add3A_495, %lt3A_496 : i32
      %convert_element_type3A_498 = arith.extui %lt3A_497 : i1 to i32
      %cond3A_499 = arith.constant 5 : i32
      %cond3A_500 = arith.constant 5 : i32
      %cond3A_501 = arith.constant 0 : i32
      %cond3A_502 = arith.cmpi ne, %convert_element_type3A_498, %cond3A_501 : i32
      scf.if %cond3A_502 {
        %dma_wait3A_591 = arith.constant 0 : i32
        %dma_wait3A_592 = arith.constant 0 : i32
        %dma_wait3A_593 = tpu.memref_slice %arg6[%cond3A_499, %dma_wait3A_591, %dma_wait3A_592] : memref<8x128x32xf32, #tpu.memory_space<vmem>> -> memref<1x128x32xf32, #tpu.memory_space<vmem>>
        %dma_wait3A_594 = tpu.memref_squeeze %dma_wait3A_593 : memref<1x128x32xf32, #tpu.memory_space<vmem>> -> memref<128x32xf32, #tpu.memory_space<vmem>>
        %dma_wait3A_595 = arith.constant 0 : i32
        %dma_wait3A_596 = tpu.memref_slice %arg4[%add3A_477, %dma_wait3A_595] : memref<819200x32xf32, #tpu.memory_space<hbm>> -> memref<128x32xf32, #tpu.memory_space<hbm>>
        %dma_wait3A_597 = tpu.memref_slice %arg8[%cond3A_500] : memref<8x!tpu.dma_semaphore, #tpu.memory_space<semaphore_mem>> -> memref<1x!tpu.dma_semaphore, #tpu.memory_space<semaphore_mem>>
        %dma_wait3A_598 = tpu.memref_squeeze %dma_wait3A_597 : memref<1x!tpu.dma_semaphore, #tpu.memory_space<semaphore_mem>> -> memref<!tpu.dma_semaphore, #tpu.memory_space<semaphore_mem>>
        %dma_wait3A_599 = arith.constant 0 : i32
        %dma_wait3A_600 = tpu.memref_slice %arg4[%add3A_477, %dma_wait3A_599] : memref<819200x32xf32, #tpu.memory_space<hbm>> -> memref<128x32xf32, #tpu.memory_space<hbm>>
        %dma_wait3A_601 = arith.constant 0 : i32
        %dma_wait3A_602 = arith.constant 0 : i32
        %dma_wait3A_603 = tpu.memref_slice %arg6[%cond3A_499, %dma_wait3A_601, %dma_wait3A_602] : memref<8x128x32xf32, #tpu.memory_space<vmem>> -> memref<1x128x32xf32, #tpu.memory_space<vmem>>
        %dma_wait3A_604 = tpu.memref_squeeze %dma_wait3A_603 : memref<1x128x32xf32, #tpu.memory_space<vmem>> -> memref<128x32xf32, #tpu.memory_space<vmem>>
        tpu.wait_dma2 semaphore(%dma_wait3A_598 : memref<!tpu.dma_semaphore, #tpu.memory_space<semaphore_mem>>) src(%dma_wait3A_604 : memref<128x32xf32, #tpu.memory_space<vmem>>) dst(%dma_wait3A_600 : memref<128x32xf32, #tpu.memory_space<hbm>>)
        %add3A_605 = arith.constant 8 : i32
        %add3A_606 = arith.addi %add3A_460, %add3A_605 : i32
        %mul3A_607 = arith.constant 128 : i32
        %mul3A_608 = arith.muli %add3A_606, %mul3A_607 : i32
        %dma_start3A_609 = arith.constant 5 : i32
        %dma_start3A_610 = arith.constant 5 : i32
        %dma_start3A_611 = arith.constant 0 : i32
        %dma_start3A_612 = arith.constant 0 : i32
        %dma_start3A_613 = tpu.memref_slice %arg6[%dma_start3A_609, %dma_start3A_611, %dma_start3A_612] : memref<8x128x32xf32, #tpu.memory_space<vmem>> -> memref<1x128x32xf32, #tpu.memory_space<vmem>>
        %dma_start3A_614 = tpu.memref_squeeze %dma_start3A_613 : memref<1x128x32xf32, #tpu.memory_space<vmem>> -> memref<128x32xf32, #tpu.memory_space<vmem>>
        %dma_start3A_615 = tpu.memref_slice %arg5[%mul3A_608] : memref<25600xi32, #tpu.memory_space<vmem>> -> memref<128xi32, #tpu.memory_space<vmem>>
        %dma_start3A_616 = arith.constant 0 : i32
        %dma_start3A_617 = arith.constant 0 : i32
        %dma_start3A_618 = tpu.memref_slice %arg2[%dma_start3A_616, %dma_start3A_617] : memref<1000000x32xf32, #tpu.memory_space<hbm>> -> memref<1000000x32xf32, #tpu.memory_space<hbm>>
        %dma_start3A_619 = tpu.memref_slice %arg7[%dma_start3A_610] : memref<8x!tpu.dma_semaphore, #tpu.memory_space<semaphore_mem>> -> memref<1x!tpu.dma_semaphore, #tpu.memory_space<semaphore_mem>>
        %dma_start3A_620 = tpu.memref_squeeze %dma_start3A_619 : memref<1x!tpu.dma_semaphore, #tpu.memory_space<semaphore_mem>> -> memref<!tpu.dma_semaphore, #tpu.memory_space<semaphore_mem>>
        tpu.enqueue_indirect_dma source(%dma_start3A_618 : memref<1000000x32xf32, #tpu.memory_space<hbm>>) target(%dma_start3A_614 : memref<128x32xf32, #tpu.memory_space<vmem>>) offsets(%dma_start3A_615 : memref<128xi32, #tpu.memory_space<vmem>>) semaphore(%dma_start3A_620 : memref<!tpu.dma_semaphore, #tpu.memory_space<semaphore_mem>>)
      } else {
      }
      %add3A_503 = arith.constant 6 : i32
      %add3A_504 = arith.addi %add3A_241, %add3A_503 : i32
      %mul3A_505 = arith.constant 128 : i32
      %mul3A_506 = arith.muli %add3A_504, %mul3A_505 : i32
      %dma_wait3A_507 = arith.constant 6 : i32
      %dma_wait3A_508 = arith.constant 6 : i32
      %dma_wait3A_509 = arith.constant 0 : i32
      %dma_wait3A_510 = arith.constant 0 : i32
      %dma_wait3A_511 = tpu.memref_slice %arg6[%dma_wait3A_507, %dma_wait3A_509, %dma_wait3A_510] : memref<8x128x32xf32, #tpu.memory_space<vmem>> -> memref<1x128x32xf32, #tpu.memory_space<vmem>>
      %dma_wait3A_512 = tpu.memref_squeeze %dma_wait3A_511 : memref<1x128x32xf32, #tpu.memory_space<vmem>> -> memref<128x32xf32, #tpu.memory_space<vmem>>
      %dma_wait3A_513 = tpu.memref_slice %arg5[%mul3A_506] : memref<25600xi32, #tpu.memory_space<vmem>> -> memref<128xi32, #tpu.memory_space<vmem>>
      %dma_wait3A_514 = arith.constant 0 : i32
      %dma_wait3A_515 = arith.constant 0 : i32
      %dma_wait3A_516 = tpu.memref_slice %arg2[%dma_wait3A_514, %dma_wait3A_515] : memref<1000000x32xf32, #tpu.memory_space<hbm>> -> memref<1000000x32xf32, #tpu.memory_space<hbm>>
      %dma_wait3A_517 = tpu.memref_slice %arg7[%dma_wait3A_508] : memref<8x!tpu.dma_semaphore, #tpu.memory_space<semaphore_mem>> -> memref<1x!tpu.dma_semaphore, #tpu.memory_space<semaphore_mem>>
      %dma_wait3A_518 = tpu.memref_squeeze %dma_wait3A_517 : memref<1x!tpu.dma_semaphore, #tpu.memory_space<semaphore_mem>> -> memref<!tpu.dma_semaphore, #tpu.memory_space<semaphore_mem>>
      tpu.wait_indirect_dma semaphore(%dma_wait3A_518 : memref<!tpu.dma_semaphore, #tpu.memory_space<semaphore_mem>>) src(%dma_wait3A_516 : memref<1000000x32xf32, #tpu.memory_space<hbm>>) dst(%dma_wait3A_512 : memref<128x32xf32, #tpu.memory_space<vmem>>)
      %mul3A_519 = arith.constant 128 : i32
      %mul3A_520 = arith.muli %add3A_504, %mul3A_519 : i32
      %add3A_521 = arith.addi %mul3A_2, %mul3A_520 : i32
      %dma_start3A_522 = arith.constant 6 : i32
      %dma_start3A_523 = arith.constant 6 : i32
      %dma_start3A_524 = arith.constant 0 : i32
      %dma_start3A_525 = arith.constant 0 : i32
      %dma_start3A_526 = tpu.memref_slice %arg6[%dma_start3A_522, %dma_start3A_524, %dma_start3A_525] : memref<8x128x32xf32, #tpu.memory_space<vmem>> -> memref<1x128x32xf32, #tpu.memory_space<vmem>>
      %dma_start3A_527 = tpu.memref_squeeze %dma_start3A_526 : memref<1x128x32xf32, #tpu.memory_space<vmem>> -> memref<128x32xf32, #tpu.memory_space<vmem>>
      %dma_start3A_528 = arith.constant 0 : i32
      %dma_start3A_529 = tpu.memref_slice %arg4[%add3A_521, %dma_start3A_528] : memref<819200x32xf32, #tpu.memory_space<hbm>> -> memref<128x32xf32, #tpu.memory_space<hbm>>
      %dma_start3A_530 = tpu.memref_slice %arg8[%dma_start3A_523] : memref<8x!tpu.dma_semaphore, #tpu.memory_space<semaphore_mem>> -> memref<1x!tpu.dma_semaphore, #tpu.memory_space<semaphore_mem>>
      %dma_start3A_531 = tpu.memref_squeeze %dma_start3A_530 : memref<1x!tpu.dma_semaphore, #tpu.memory_space<semaphore_mem>> -> memref<!tpu.dma_semaphore, #tpu.memory_space<semaphore_mem>>
      %dma_start3A_532 = arith.constant 0 : i32
      %dma_start3A_533 = tpu.memref_slice %arg4[%add3A_521, %dma_start3A_532] : memref<819200x32xf32, #tpu.memory_space<hbm>> -> memref<128x32xf32, #tpu.memory_space<hbm>>
      %dma_start3A_534 = arith.constant 0 : i32
      %dma_start3A_535 = arith.constant 0 : i32
      %dma_start3A_536 = tpu.memref_slice %arg6[%dma_start3A_522, %dma_start3A_534, %dma_start3A_535] : memref<8x128x32xf32, #tpu.memory_space<vmem>> -> memref<1x128x32xf32, #tpu.memory_space<vmem>>
      %dma_start3A_537 = tpu.memref_squeeze %dma_start3A_536 : memref<1x128x32xf32, #tpu.memory_space<vmem>> -> memref<128x32xf32, #tpu.memory_space<vmem>>
      tpu.enqueue_dma source(%dma_start3A_537 : memref<128x32xf32, #tpu.memory_space<vmem>>) target(%dma_start3A_533 : memref<128x32xf32, #tpu.memory_space<hbm>>) target_semaphore(%dma_start3A_531 : memref<!tpu.dma_semaphore, #tpu.memory_space<semaphore_mem>>)
      %add3A_538 = arith.constant 8 : i32
      %add3A_539 = arith.addi %add3A_504, %add3A_538 : i32
      %lt3A_540 = arith.constant 200 : i32
      %lt3A_541 = arith.cmpi slt, %add3A_539, %lt3A_540 : i32
      %convert_element_type3A_542 = arith.extui %lt3A_541 : i1 to i32
      %cond3A_543 = arith.constant 6 : i32
      %cond3A_544 = arith.constant 6 : i32
      %cond3A_545 = arith.constant 0 : i32
      %cond3A_546 = arith.cmpi ne, %convert_element_type3A_542, %cond3A_545 : i32
      scf.if %cond3A_546 {
        %dma_wait3A_591 = arith.constant 0 : i32
        %dma_wait3A_592 = arith.constant 0 : i32
        %dma_wait3A_593 = tpu.memref_slice %arg6[%cond3A_543, %dma_wait3A_591, %dma_wait3A_592] : memref<8x128x32xf32, #tpu.memory_space<vmem>> -> memref<1x128x32xf32, #tpu.memory_space<vmem>>
        %dma_wait3A_594 = tpu.memref_squeeze %dma_wait3A_593 : memref<1x128x32xf32, #tpu.memory_space<vmem>> -> memref<128x32xf32, #tpu.memory_space<vmem>>
        %dma_wait3A_595 = arith.constant 0 : i32
        %dma_wait3A_596 = tpu.memref_slice %arg4[%add3A_521, %dma_wait3A_595] : memref<819200x32xf32, #tpu.memory_space<hbm>> -> memref<128x32xf32, #tpu.memory_space<hbm>>
        %dma_wait3A_597 = tpu.memref_slice %arg8[%cond3A_544] : memref<8x!tpu.dma_semaphore, #tpu.memory_space<semaphore_mem>> -> memref<1x!tpu.dma_semaphore, #tpu.memory_space<semaphore_mem>>
        %dma_wait3A_598 = tpu.memref_squeeze %dma_wait3A_597 : memref<1x!tpu.dma_semaphore, #tpu.memory_space<semaphore_mem>> -> memref<!tpu.dma_semaphore, #tpu.memory_space<semaphore_mem>>
        %dma_wait3A_599 = arith.constant 0 : i32
        %dma_wait3A_600 = tpu.memref_slice %arg4[%add3A_521, %dma_wait3A_599] : memref<819200x32xf32, #tpu.memory_space<hbm>> -> memref<128x32xf32, #tpu.memory_space<hbm>>
        %dma_wait3A_601 = arith.constant 0 : i32
        %dma_wait3A_602 = arith.constant 0 : i32
        %dma_wait3A_603 = tpu.memref_slice %arg6[%cond3A_543, %dma_wait3A_601, %dma_wait3A_602] : memref<8x128x32xf32, #tpu.memory_space<vmem>> -> memref<1x128x32xf32, #tpu.memory_space<vmem>>
        %dma_wait3A_604 = tpu.memref_squeeze %dma_wait3A_603 : memref<1x128x32xf32, #tpu.memory_space<vmem>> -> memref<128x32xf32, #tpu.memory_space<vmem>>
        tpu.wait_dma2 semaphore(%dma_wait3A_598 : memref<!tpu.dma_semaphore, #tpu.memory_space<semaphore_mem>>) src(%dma_wait3A_604 : memref<128x32xf32, #tpu.memory_space<vmem>>) dst(%dma_wait3A_600 : memref<128x32xf32, #tpu.memory_space<hbm>>)
        %add3A_605 = arith.constant 8 : i32
        %add3A_606 = arith.addi %add3A_504, %add3A_605 : i32
        %mul3A_607 = arith.constant 128 : i32
        %mul3A_608 = arith.muli %add3A_606, %mul3A_607 : i32
        %dma_start3A_609 = arith.constant 6 : i32
        %dma_start3A_610 = arith.constant 6 : i32
        %dma_start3A_611 = arith.constant 0 : i32
        %dma_start3A_612 = arith.constant 0 : i32
        %dma_start3A_613 = tpu.memref_slice %arg6[%dma_start3A_609, %dma_start3A_611, %dma_start3A_612] : memref<8x128x32xf32, #tpu.memory_space<vmem>> -> memref<1x128x32xf32, #tpu.memory_space<vmem>>
        %dma_start3A_614 = tpu.memref_squeeze %dma_start3A_613 : memref<1x128x32xf32, #tpu.memory_space<vmem>> -> memref<128x32xf32, #tpu.memory_space<vmem>>
        %dma_start3A_615 = tpu.memref_slice %arg5[%mul3A_608] : memref<25600xi32, #tpu.memory_space<vmem>> -> memref<128xi32, #tpu.memory_space<vmem>>
        %dma_start3A_616 = arith.constant 0 : i32
        %dma_start3A_617 = arith.constant 0 : i32
        %dma_start3A_618 = tpu.memref_slice %arg2[%dma_start3A_616, %dma_start3A_617] : memref<1000000x32xf32, #tpu.memory_space<hbm>> -> memref<1000000x32xf32, #tpu.memory_space<hbm>>
        %dma_start3A_619 = tpu.memref_slice %arg7[%dma_start3A_610] : memref<8x!tpu.dma_semaphore, #tpu.memory_space<semaphore_mem>> -> memref<1x!tpu.dma_semaphore, #tpu.memory_space<semaphore_mem>>
        %dma_start3A_620 = tpu.memref_squeeze %dma_start3A_619 : memref<1x!tpu.dma_semaphore, #tpu.memory_space<semaphore_mem>> -> memref<!tpu.dma_semaphore, #tpu.memory_space<semaphore_mem>>
        tpu.enqueue_indirect_dma source(%dma_start3A_618 : memref<1000000x32xf32, #tpu.memory_space<hbm>>) target(%dma_start3A_614 : memref<128x32xf32, #tpu.memory_space<vmem>>) offsets(%dma_start3A_615 : memref<128xi32, #tpu.memory_space<vmem>>) semaphore(%dma_start3A_620 : memref<!tpu.dma_semaphore, #tpu.memory_space<semaphore_mem>>)
      } else {
      }
      %add3A_547 = arith.constant 7 : i32
      %add3A_548 = arith.addi %add3A_241, %add3A_547 : i32
      %mul3A_549 = arith.constant 128 : i32
      %mul3A_550 = arith.muli %add3A_548, %mul3A_549 : i32
      %dma_wait3A_551 = arith.constant 7 : i32
      %dma_wait3A_552 = arith.constant 7 : i32
      %dma_wait3A_553 = arith.constant 0 : i32
      %dma_wait3A_554 = arith.constant 0 : i32
      %dma_wait3A_555 = tpu.memref_slice %arg6[%dma_wait3A_551, %dma_wait3A_553, %dma_wait3A_554] : memref<8x128x32xf32, #tpu.memory_space<vmem>> -> memref<1x128x32xf32, #tpu.memory_space<vmem>>
      %dma_wait3A_556 = tpu.memref_squeeze %dma_wait3A_555 : memref<1x128x32xf32, #tpu.memory_space<vmem>> -> memref<128x32xf32, #tpu.memory_space<vmem>>
      %dma_wait3A_557 = tpu.memref_slice %arg5[%mul3A_550] : memref<25600xi32, #tpu.memory_space<vmem>> -> memref<128xi32, #tpu.memory_space<vmem>>
      %dma_wait3A_558 = arith.constant 0 : i32
      %dma_wait3A_559 = arith.constant 0 : i32
      %dma_wait3A_560 = tpu.memref_slice %arg2[%dma_wait3A_558, %dma_wait3A_559] : memref<1000000x32xf32, #tpu.memory_space<hbm>> -> memref<1000000x32xf32, #tpu.memory_space<hbm>>
      %dma_wait3A_561 = tpu.memref_slice %arg7[%dma_wait3A_552] : memref<8x!tpu.dma_semaphore, #tpu.memory_space<semaphore_mem>> -> memref<1x!tpu.dma_semaphore, #tpu.memory_space<semaphore_mem>>
      %dma_wait3A_562 = tpu.memref_squeeze %dma_wait3A_561 : memref<1x!tpu.dma_semaphore, #tpu.memory_space<semaphore_mem>> -> memref<!tpu.dma_semaphore, #tpu.memory_space<semaphore_mem>>
      tpu.wait_indirect_dma semaphore(%dma_wait3A_562 : memref<!tpu.dma_semaphore, #tpu.memory_space<semaphore_mem>>) src(%dma_wait3A_560 : memref<1000000x32xf32, #tpu.memory_space<hbm>>) dst(%dma_wait3A_556 : memref<128x32xf32, #tpu.memory_space<vmem>>)
      %mul3A_563 = arith.constant 128 : i32
      %mul3A_564 = arith.muli %add3A_548, %mul3A_563 : i32
      %add3A_565 = arith.addi %mul3A_2, %mul3A_564 : i32
      %dma_start3A_566 = arith.constant 7 : i32
      %dma_start3A_567 = arith.constant 7 : i32
      %dma_start3A_568 = arith.constant 0 : i32
      %dma_start3A_569 = arith.constant 0 : i32
      %dma_start3A_570 = tpu.memref_slice %arg6[%dma_start3A_566, %dma_start3A_568, %dma_start3A_569] : memref<8x128x32xf32, #tpu.memory_space<vmem>> -> memref<1x128x32xf32, #tpu.memory_space<vmem>>
      %dma_start3A_571 = tpu.memref_squeeze %dma_start3A_570 : memref<1x128x32xf32, #tpu.memory_space<vmem>> -> memref<128x32xf32, #tpu.memory_space<vmem>>
      %dma_start3A_572 = arith.constant 0 : i32
      %dma_start3A_573 = tpu.memref_slice %arg4[%add3A_565, %dma_start3A_572] : memref<819200x32xf32, #tpu.memory_space<hbm>> -> memref<128x32xf32, #tpu.memory_space<hbm>>
      %dma_start3A_574 = tpu.memref_slice %arg8[%dma_start3A_567] : memref<8x!tpu.dma_semaphore, #tpu.memory_space<semaphore_mem>> -> memref<1x!tpu.dma_semaphore, #tpu.memory_space<semaphore_mem>>
      %dma_start3A_575 = tpu.memref_squeeze %dma_start3A_574 : memref<1x!tpu.dma_semaphore, #tpu.memory_space<semaphore_mem>> -> memref<!tpu.dma_semaphore, #tpu.memory_space<semaphore_mem>>
      %dma_start3A_576 = arith.constant 0 : i32
      %dma_start3A_577 = tpu.memref_slice %arg4[%add3A_565, %dma_start3A_576] : memref<819200x32xf32, #tpu.memory_space<hbm>> -> memref<128x32xf32, #tpu.memory_space<hbm>>
      %dma_start3A_578 = arith.constant 0 : i32
      %dma_start3A_579 = arith.constant 0 : i32
      %dma_start3A_580 = tpu.memref_slice %arg6[%dma_start3A_566, %dma_start3A_578, %dma_start3A_579] : memref<8x128x32xf32, #tpu.memory_space<vmem>> -> memref<1x128x32xf32, #tpu.memory_space<vmem>>
      %dma_start3A_581 = tpu.memref_squeeze %dma_start3A_580 : memref<1x128x32xf32, #tpu.memory_space<vmem>> -> memref<128x32xf32, #tpu.memory_space<vmem>>
      tpu.enqueue_dma source(%dma_start3A_581 : memref<128x32xf32, #tpu.memory_space<vmem>>) target(%dma_start3A_577 : memref<128x32xf32, #tpu.memory_space<hbm>>) target_semaphore(%dma_start3A_575 : memref<!tpu.dma_semaphore, #tpu.memory_space<semaphore_mem>>)
      %add3A_582 = arith.constant 8 : i32
      %add3A_583 = arith.addi %add3A_548, %add3A_582 : i32
      %lt3A_584 = arith.constant 200 : i32
      %lt3A_585 = arith.cmpi slt, %add3A_583, %lt3A_584 : i32
      %convert_element_type3A_586 = arith.extui %lt3A_585 : i1 to i32
      %cond3A_587 = arith.constant 7 : i32
      %cond3A_588 = arith.constant 7 : i32
      %cond3A_589 = arith.constant 0 : i32
      %cond3A_590 = arith.cmpi ne, %convert_element_type3A_586, %cond3A_589 : i32
      scf.if %cond3A_590 {
        %dma_wait3A_591 = arith.constant 0 : i32
        %dma_wait3A_592 = arith.constant 0 : i32
        %dma_wait3A_593 = tpu.memref_slice %arg6[%cond3A_587, %dma_wait3A_591, %dma_wait3A_592] : memref<8x128x32xf32, #tpu.memory_space<vmem>> -> memref<1x128x32xf32, #tpu.memory_space<vmem>>
        %dma_wait3A_594 = tpu.memref_squeeze %dma_wait3A_593 : memref<1x128x32xf32, #tpu.memory_space<vmem>> -> memref<128x32xf32, #tpu.memory_space<vmem>>
        %dma_wait3A_595 = arith.constant 0 : i32
        %dma_wait3A_596 = tpu.memref_slice %arg4[%add3A_565, %dma_wait3A_595] : memref<819200x32xf32, #tpu.memory_space<hbm>> -> memref<128x32xf32, #tpu.memory_space<hbm>>
        %dma_wait3A_597 = tpu.memref_slice %arg8[%cond3A_588] : memref<8x!tpu.dma_semaphore, #tpu.memory_space<semaphore_mem>> -> memref<1x!tpu.dma_semaphore, #tpu.memory_space<semaphore_mem>>
        %dma_wait3A_598 = tpu.memref_squeeze %dma_wait3A_597 : memref<1x!tpu.dma_semaphore, #tpu.memory_space<semaphore_mem>> -> memref<!tpu.dma_semaphore, #tpu.memory_space<semaphore_mem>>
        %dma_wait3A_599 = arith.constant 0 : i32
        %dma_wait3A_600 = tpu.memref_slice %arg4[%add3A_565, %dma_wait3A_599] : memref<819200x32xf32, #tpu.memory_space<hbm>> -> memref<128x32xf32, #tpu.memory_space<hbm>>
        %dma_wait3A_601 = arith.constant 0 : i32
        %dma_wait3A_602 = arith.constant 0 : i32
        %dma_wait3A_603 = tpu.memref_slice %arg6[%cond3A_587, %dma_wait3A_601, %dma_wait3A_602] : memref<8x128x32xf32, #tpu.memory_space<vmem>> -> memref<1x128x32xf32, #tpu.memory_space<vmem>>
        %dma_wait3A_604 = tpu.memref_squeeze %dma_wait3A_603 : memref<1x128x32xf32, #tpu.memory_space<vmem>> -> memref<128x32xf32, #tpu.memory_space<vmem>>
        tpu.wait_dma2 semaphore(%dma_wait3A_598 : memref<!tpu.dma_semaphore, #tpu.memory_space<semaphore_mem>>) src(%dma_wait3A_604 : memref<128x32xf32, #tpu.memory_space<vmem>>) dst(%dma_wait3A_600 : memref<128x32xf32, #tpu.memory_space<hbm>>)
        %add3A_605 = arith.constant 8 : i32
        %add3A_606 = arith.addi %add3A_548, %add3A_605 : i32
        %mul3A_607 = arith.constant 128 : i32
        %mul3A_608 = arith.muli %add3A_606, %mul3A_607 : i32
        %dma_start3A_609 = arith.constant 7 : i32
        %dma_start3A_610 = arith.constant 7 : i32
        %dma_start3A_611 = arith.constant 0 : i32
        %dma_start3A_612 = arith.constant 0 : i32
        %dma_start3A_613 = tpu.memref_slice %arg6[%dma_start3A_609, %dma_start3A_611, %dma_start3A_612] : memref<8x128x32xf32, #tpu.memory_space<vmem>> -> memref<1x128x32xf32, #tpu.memory_space<vmem>>
        %dma_start3A_614 = tpu.memref_squeeze %dma_start3A_613 : memref<1x128x32xf32, #tpu.memory_space<vmem>> -> memref<128x32xf32, #tpu.memory_space<vmem>>
        %dma_start3A_615 = tpu.memref_slice %arg5[%mul3A_608] : memref<25600xi32, #tpu.memory_space<vmem>> -> memref<128xi32, #tpu.memory_space<vmem>>
        %dma_start3A_616 = arith.constant 0 : i32
        %dma_start3A_617 = arith.constant 0 : i32
        %dma_start3A_618 = tpu.memref_slice %arg2[%dma_start3A_616, %dma_start3A_617] : memref<1000000x32xf32, #tpu.memory_space<hbm>> -> memref<1000000x32xf32, #tpu.memory_space<hbm>>
        %dma_start3A_619 = tpu.memref_slice %arg7[%dma_start3A_610] : memref<8x!tpu.dma_semaphore, #tpu.memory_space<semaphore_mem>> -> memref<1x!tpu.dma_semaphore, #tpu.memory_space<semaphore_mem>>
        %dma_start3A_620 = tpu.memref_squeeze %dma_start3A_619 : memref<1x!tpu.dma_semaphore, #tpu.memory_space<semaphore_mem>> -> memref<!tpu.dma_semaphore, #tpu.memory_space<semaphore_mem>>
        tpu.enqueue_indirect_dma source(%dma_start3A_618 : memref<1000000x32xf32, #tpu.memory_space<hbm>>) target(%dma_start3A_614 : memref<128x32xf32, #tpu.memory_space<vmem>>) offsets(%dma_start3A_615 : memref<128xi32, #tpu.memory_space<vmem>>) semaphore(%dma_start3A_620 : memref<!tpu.dma_semaphore, #tpu.memory_space<semaphore_mem>>)
      } else {
      }
    }
    %scan3A_109 = arith.constant 25 : i32
    %dma_wait3A = arith.constant 0 : i32
    %dma_wait3A_110 = arith.constant 0 : i32
    %dma_wait3A_111 = arith.constant 0 : i32
    %dma_wait3A_112 = arith.constant 0 : i32
    %dma_wait3A_113 = tpu.memref_slice %arg6[%dma_wait3A, %dma_wait3A_111, %dma_wait3A_112] : memref<8x128x32xf32, #tpu.memory_space<vmem>> -> memref<1x128x32xf32, #tpu.memory_space<vmem>>
    %dma_wait3A_114 = tpu.memref_squeeze %dma_wait3A_113 : memref<1x128x32xf32, #tpu.memory_space<vmem>> -> memref<128x32xf32, #tpu.memory_space<vmem>>
    %dma_wait3A_115 = arith.constant 0 : i32
    %dma_wait3A_116 = tpu.memref_slice %arg4[%mul3A_2, %dma_wait3A_115] : memref<819200x32xf32, #tpu.memory_space<hbm>> -> memref<128x32xf32, #tpu.memory_space<hbm>>
    %dma_wait3A_117 = tpu.memref_slice %arg8[%dma_wait3A_110] : memref<8x!tpu.dma_semaphore, #tpu.memory_space<semaphore_mem>> -> memref<1x!tpu.dma_semaphore, #tpu.memory_space<semaphore_mem>>
    %dma_wait3A_118 = tpu.memref_squeeze %dma_wait3A_117 : memref<1x!tpu.dma_semaphore, #tpu.memory_space<semaphore_mem>> -> memref<!tpu.dma_semaphore, #tpu.memory_space<semaphore_mem>>
    %dma_wait3A_119 = arith.constant 0 : i32
    %dma_wait3A_120 = tpu.memref_slice %arg4[%mul3A_2, %dma_wait3A_119] : memref<819200x32xf32, #tpu.memory_space<hbm>> -> memref<128x32xf32, #tpu.memory_space<hbm>>
    %dma_wait3A_121 = arith.constant 0 : i32
    %dma_wait3A_122 = arith.constant 0 : i32
    %dma_wait3A_123 = tpu.memref_slice %arg6[%dma_wait3A, %dma_wait3A_121, %dma_wait3A_122] : memref<8x128x32xf32, #tpu.memory_space<vmem>> -> memref<1x128x32xf32, #tpu.memory_space<vmem>>
    %dma_wait3A_124 = tpu.memref_squeeze %dma_wait3A_123 : memref<1x128x32xf32, #tpu.memory_space<vmem>> -> memref<128x32xf32, #tpu.memory_space<vmem>>
    tpu.wait_dma2 semaphore(%dma_wait3A_118 : memref<!tpu.dma_semaphore, #tpu.memory_space<semaphore_mem>>) src(%dma_wait3A_124 : memref<128x32xf32, #tpu.memory_space<vmem>>) dst(%dma_wait3A_120 : memref<128x32xf32, #tpu.memory_space<hbm>>)
    %dma_wait3A_125 = arith.constant 1 : i32
    %dma_wait3A_126 = arith.constant 1 : i32
    %dma_wait3A_127 = arith.constant 0 : i32
    %dma_wait3A_128 = arith.constant 0 : i32
    %dma_wait3A_129 = tpu.memref_slice %arg6[%dma_wait3A_125, %dma_wait3A_127, %dma_wait3A_128] : memref<8x128x32xf32, #tpu.memory_space<vmem>> -> memref<1x128x32xf32, #tpu.memory_space<vmem>>
    %dma_wait3A_130 = tpu.memref_squeeze %dma_wait3A_129 : memref<1x128x32xf32, #tpu.memory_space<vmem>> -> memref<128x32xf32, #tpu.memory_space<vmem>>
    %dma_wait3A_131 = arith.constant 0 : i32
    %dma_wait3A_132 = tpu.memref_slice %arg4[%mul3A_2, %dma_wait3A_131] : memref<819200x32xf32, #tpu.memory_space<hbm>> -> memref<128x32xf32, #tpu.memory_space<hbm>>
    %dma_wait3A_133 = tpu.memref_slice %arg8[%dma_wait3A_126] : memref<8x!tpu.dma_semaphore, #tpu.memory_space<semaphore_mem>> -> memref<1x!tpu.dma_semaphore, #tpu.memory_space<semaphore_mem>>
    %dma_wait3A_134 = tpu.memref_squeeze %dma_wait3A_133 : memref<1x!tpu.dma_semaphore, #tpu.memory_space<semaphore_mem>> -> memref<!tpu.dma_semaphore, #tpu.memory_space<semaphore_mem>>
    %dma_wait3A_135 = arith.constant 0 : i32
    %dma_wait3A_136 = tpu.memref_slice %arg4[%mul3A_2, %dma_wait3A_135] : memref<819200x32xf32, #tpu.memory_space<hbm>> -> memref<128x32xf32, #tpu.memory_space<hbm>>
    %dma_wait3A_137 = arith.constant 0 : i32
    %dma_wait3A_138 = arith.constant 0 : i32
    %dma_wait3A_139 = tpu.memref_slice %arg6[%dma_wait3A_125, %dma_wait3A_137, %dma_wait3A_138] : memref<8x128x32xf32, #tpu.memory_space<vmem>> -> memref<1x128x32xf32, #tpu.memory_space<vmem>>
    %dma_wait3A_140 = tpu.memref_squeeze %dma_wait3A_139 : memref<1x128x32xf32, #tpu.memory_space<vmem>> -> memref<128x32xf32, #tpu.memory_space<vmem>>
    tpu.wait_dma2 semaphore(%dma_wait3A_134 : memref<!tpu.dma_semaphore, #tpu.memory_space<semaphore_mem>>) src(%dma_wait3A_140 : memref<128x32xf32, #tpu.memory_space<vmem>>) dst(%dma_wait3A_136 : memref<128x32xf32, #tpu.memory_space<hbm>>)
    %dma_wait3A_141 = arith.constant 2 : i32
    %dma_wait3A_142 = arith.constant 2 : i32
    %dma_wait3A_143 = arith.constant 0 : i32
    %dma_wait3A_144 = arith.constant 0 : i32
    %dma_wait3A_145 = tpu.memref_slice %arg6[%dma_wait3A_141, %dma_wait3A_143, %dma_wait3A_144] : memref<8x128x32xf32, #tpu.memory_space<vmem>> -> memref<1x128x32xf32, #tpu.memory_space<vmem>>
    %dma_wait3A_146 = tpu.memref_squeeze %dma_wait3A_145 : memref<1x128x32xf32, #tpu.memory_space<vmem>> -> memref<128x32xf32, #tpu.memory_space<vmem>>
    %dma_wait3A_147 = arith.constant 0 : i32
    %dma_wait3A_148 = tpu.memref_slice %arg4[%mul3A_2, %dma_wait3A_147] : memref<819200x32xf32, #tpu.memory_space<hbm>> -> memref<128x32xf32, #tpu.memory_space<hbm>>
    %dma_wait3A_149 = tpu.memref_slice %arg8[%dma_wait3A_142] : memref<8x!tpu.dma_semaphore, #tpu.memory_space<semaphore_mem>> -> memref<1x!tpu.dma_semaphore, #tpu.memory_space<semaphore_mem>>
    %dma_wait3A_150 = tpu.memref_squeeze %dma_wait3A_149 : memref<1x!tpu.dma_semaphore, #tpu.memory_space<semaphore_mem>> -> memref<!tpu.dma_semaphore, #tpu.memory_space<semaphore_mem>>
    %dma_wait3A_151 = arith.constant 0 : i32
    %dma_wait3A_152 = tpu.memref_slice %arg4[%mul3A_2, %dma_wait3A_151] : memref<819200x32xf32, #tpu.memory_space<hbm>> -> memref<128x32xf32, #tpu.memory_space<hbm>>
    %dma_wait3A_153 = arith.constant 0 : i32
    %dma_wait3A_154 = arith.constant 0 : i32
    %dma_wait3A_155 = tpu.memref_slice %arg6[%dma_wait3A_141, %dma_wait3A_153, %dma_wait3A_154] : memref<8x128x32xf32, #tpu.memory_space<vmem>> -> memref<1x128x32xf32, #tpu.memory_space<vmem>>
    %dma_wait3A_156 = tpu.memref_squeeze %dma_wait3A_155 : memref<1x128x32xf32, #tpu.memory_space<vmem>> -> memref<128x32xf32, #tpu.memory_space<vmem>>
    tpu.wait_dma2 semaphore(%dma_wait3A_150 : memref<!tpu.dma_semaphore, #tpu.memory_space<semaphore_mem>>) src(%dma_wait3A_156 : memref<128x32xf32, #tpu.memory_space<vmem>>) dst(%dma_wait3A_152 : memref<128x32xf32, #tpu.memory_space<hbm>>)
    %dma_wait3A_157 = arith.constant 3 : i32
    %dma_wait3A_158 = arith.constant 3 : i32
    %dma_wait3A_159 = arith.constant 0 : i32
    %dma_wait3A_160 = arith.constant 0 : i32
    %dma_wait3A_161 = tpu.memref_slice %arg6[%dma_wait3A_157, %dma_wait3A_159, %dma_wait3A_160] : memref<8x128x32xf32, #tpu.memory_space<vmem>> -> memref<1x128x32xf32, #tpu.memory_space<vmem>>
    %dma_wait3A_162 = tpu.memref_squeeze %dma_wait3A_161 : memref<1x128x32xf32, #tpu.memory_space<vmem>> -> memref<128x32xf32, #tpu.memory_space<vmem>>
    %dma_wait3A_163 = arith.constant 0 : i32
    %dma_wait3A_164 = tpu.memref_slice %arg4[%mul3A_2, %dma_wait3A_163] : memref<819200x32xf32, #tpu.memory_space<hbm>> -> memref<128x32xf32, #tpu.memory_space<hbm>>
    %dma_wait3A_165 = tpu.memref_slice %arg8[%dma_wait3A_158] : memref<8x!tpu.dma_semaphore, #tpu.memory_space<semaphore_mem>> -> memref<1x!tpu.dma_semaphore, #tpu.memory_space<semaphore_mem>>
    %dma_wait3A_166 = tpu.memref_squeeze %dma_wait3A_165 : memref<1x!tpu.dma_semaphore, #tpu.memory_space<semaphore_mem>> -> memref<!tpu.dma_semaphore, #tpu.memory_space<semaphore_mem>>
    %dma_wait3A_167 = arith.constant 0 : i32
    %dma_wait3A_168 = tpu.memref_slice %arg4[%mul3A_2, %dma_wait3A_167] : memref<819200x32xf32, #tpu.memory_space<hbm>> -> memref<128x32xf32, #tpu.memory_space<hbm>>
    %dma_wait3A_169 = arith.constant 0 : i32
    %dma_wait3A_170 = arith.constant 0 : i32
    %dma_wait3A_171 = tpu.memref_slice %arg6[%dma_wait3A_157, %dma_wait3A_169, %dma_wait3A_170] : memref<8x128x32xf32, #tpu.memory_space<vmem>> -> memref<1x128x32xf32, #tpu.memory_space<vmem>>
    %dma_wait3A_172 = tpu.memref_squeeze %dma_wait3A_171 : memref<1x128x32xf32, #tpu.memory_space<vmem>> -> memref<128x32xf32, #tpu.memory_space<vmem>>
    tpu.wait_dma2 semaphore(%dma_wait3A_166 : memref<!tpu.dma_semaphore, #tpu.memory_space<semaphore_mem>>) src(%dma_wait3A_172 : memref<128x32xf32, #tpu.memory_space<vmem>>) dst(%dma_wait3A_168 : memref<128x32xf32, #tpu.memory_space<hbm>>)
    %dma_wait3A_173 = arith.constant 4 : i32
    %dma_wait3A_174 = arith.constant 4 : i32
    %dma_wait3A_175 = arith.constant 0 : i32
    %dma_wait3A_176 = arith.constant 0 : i32
    %dma_wait3A_177 = tpu.memref_slice %arg6[%dma_wait3A_173, %dma_wait3A_175, %dma_wait3A_176] : memref<8x128x32xf32, #tpu.memory_space<vmem>> -> memref<1x128x32xf32, #tpu.memory_space<vmem>>
    %dma_wait3A_178 = tpu.memref_squeeze %dma_wait3A_177 : memref<1x128x32xf32, #tpu.memory_space<vmem>> -> memref<128x32xf32, #tpu.memory_space<vmem>>
    %dma_wait3A_179 = arith.constant 0 : i32
    %dma_wait3A_180 = tpu.memref_slice %arg4[%mul3A_2, %dma_wait3A_179] : memref<819200x32xf32, #tpu.memory_space<hbm>> -> memref<128x32xf32, #tpu.memory_space<hbm>>
    %dma_wait3A_181 = tpu.memref_slice %arg8[%dma_wait3A_174] : memref<8x!tpu.dma_semaphore, #tpu.memory_space<semaphore_mem>> -> memref<1x!tpu.dma_semaphore, #tpu.memory_space<semaphore_mem>>
    %dma_wait3A_182 = tpu.memref_squeeze %dma_wait3A_181 : memref<1x!tpu.dma_semaphore, #tpu.memory_space<semaphore_mem>> -> memref<!tpu.dma_semaphore, #tpu.memory_space<semaphore_mem>>
    %dma_wait3A_183 = arith.constant 0 : i32
    %dma_wait3A_184 = tpu.memref_slice %arg4[%mul3A_2, %dma_wait3A_183] : memref<819200x32xf32, #tpu.memory_space<hbm>> -> memref<128x32xf32, #tpu.memory_space<hbm>>
    %dma_wait3A_185 = arith.constant 0 : i32
    %dma_wait3A_186 = arith.constant 0 : i32
    %dma_wait3A_187 = tpu.memref_slice %arg6[%dma_wait3A_173, %dma_wait3A_185, %dma_wait3A_186] : memref<8x128x32xf32, #tpu.memory_space<vmem>> -> memref<1x128x32xf32, #tpu.memory_space<vmem>>
    %dma_wait3A_188 = tpu.memref_squeeze %dma_wait3A_187 : memref<1x128x32xf32, #tpu.memory_space<vmem>> -> memref<128x32xf32, #tpu.memory_space<vmem>>
    tpu.wait_dma2 semaphore(%dma_wait3A_182 : memref<!tpu.dma_semaphore, #tpu.memory_space<semaphore_mem>>) src(%dma_wait3A_188 : memref<128x32xf32, #tpu.memory_space<vmem>>) dst(%dma_wait3A_184 : memref<128x32xf32, #tpu.memory_space<hbm>>)
    %dma_wait3A_189 = arith.constant 5 : i32
    %dma_wait3A_190 = arith.constant 5 : i32
    %dma_wait3A_191 = arith.constant 0 : i32
    %dma_wait3A_192 = arith.constant 0 : i32
    %dma_wait3A_193 = tpu.memref_slice %arg6[%dma_wait3A_189, %dma_wait3A_191, %dma_wait3A_192] : memref<8x128x32xf32, #tpu.memory_space<vmem>> -> memref<1x128x32xf32, #tpu.memory_space<vmem>>
    %dma_wait3A_194 = tpu.memref_squeeze %dma_wait3A_193 : memref<1x128x32xf32, #tpu.memory_space<vmem>> -> memref<128x32xf32, #tpu.memory_space<vmem>>
    %dma_wait3A_195 = arith.constant 0 : i32
    %dma_wait3A_196 = tpu.memref_slice %arg4[%mul3A_2, %dma_wait3A_195] : memref<819200x32xf32, #tpu.memory_space<hbm>> -> memref<128x32xf32, #tpu.memory_space<hbm>>
    %dma_wait3A_197 = tpu.memref_slice %arg8[%dma_wait3A_190] : memref<8x!tpu.dma_semaphore, #tpu.memory_space<semaphore_mem>> -> memref<1x!tpu.dma_semaphore, #tpu.memory_space<semaphore_mem>>
    %dma_wait3A_198 = tpu.memref_squeeze %dma_wait3A_197 : memref<1x!tpu.dma_semaphore, #tpu.memory_space<semaphore_mem>> -> memref<!tpu.dma_semaphore, #tpu.memory_space<semaphore_mem>>
    %dma_wait3A_199 = arith.constant 0 : i32
    %dma_wait3A_200 = tpu.memref_slice %arg4[%mul3A_2, %dma_wait3A_199] : memref<819200x32xf32, #tpu.memory_space<hbm>> -> memref<128x32xf32, #tpu.memory_space<hbm>>
    %dma_wait3A_201 = arith.constant 0 : i32
    %dma_wait3A_202 = arith.constant 0 : i32
    %dma_wait3A_203 = tpu.memref_slice %arg6[%dma_wait3A_189, %dma_wait3A_201, %dma_wait3A_202] : memref<8x128x32xf32, #tpu.memory_space<vmem>> -> memref<1x128x32xf32, #tpu.memory_space<vmem>>
    %dma_wait3A_204 = tpu.memref_squeeze %dma_wait3A_203 : memref<1x128x32xf32, #tpu.memory_space<vmem>> -> memref<128x32xf32, #tpu.memory_space<vmem>>
    tpu.wait_dma2 semaphore(%dma_wait3A_198 : memref<!tpu.dma_semaphore, #tpu.memory_space<semaphore_mem>>) src(%dma_wait3A_204 : memref<128x32xf32, #tpu.memory_space<vmem>>) dst(%dma_wait3A_200 : memref<128x32xf32, #tpu.memory_space<hbm>>)
    %dma_wait3A_205 = arith.constant 6 : i32
    %dma_wait3A_206 = arith.constant 6 : i32
    %dma_wait3A_207 = arith.constant 0 : i32
    %dma_wait3A_208 = arith.constant 0 : i32
    %dma_wait3A_209 = tpu.memref_slice %arg6[%dma_wait3A_205, %dma_wait3A_207, %dma_wait3A_208] : memref<8x128x32xf32, #tpu.memory_space<vmem>> -> memref<1x128x32xf32, #tpu.memory_space<vmem>>
    %dma_wait3A_210 = tpu.memref_squeeze %dma_wait3A_209 : memref<1x128x32xf32, #tpu.memory_space<vmem>> -> memref<128x32xf32, #tpu.memory_space<vmem>>
    %dma_wait3A_211 = arith.constant 0 : i32
    %dma_wait3A_212 = tpu.memref_slice %arg4[%mul3A_2, %dma_wait3A_211] : memref<819200x32xf32, #tpu.memory_space<hbm>> -> memref<128x32xf32, #tpu.memory_space<hbm>>
    %dma_wait3A_213 = tpu.memref_slice %arg8[%dma_wait3A_206] : memref<8x!tpu.dma_semaphore, #tpu.memory_space<semaphore_mem>> -> memref<1x!tpu.dma_semaphore, #tpu.memory_space<semaphore_mem>>
    %dma_wait3A_214 = tpu.memref_squeeze %dma_wait3A_213 : memref<1x!tpu.dma_semaphore, #tpu.memory_space<semaphore_mem>> -> memref<!tpu.dma_semaphore, #tpu.memory_space<semaphore_mem>>
    %dma_wait3A_215 = arith.constant 0 : i32
    %dma_wait3A_216 = tpu.memref_slice %arg4[%mul3A_2, %dma_wait3A_215] : memref<819200x32xf32, #tpu.memory_space<hbm>> -> memref<128x32xf32, #tpu.memory_space<hbm>>
    %dma_wait3A_217 = arith.constant 0 : i32
    %dma_wait3A_218 = arith.constant 0 : i32
    %dma_wait3A_219 = tpu.memref_slice %arg6[%dma_wait3A_205, %dma_wait3A_217, %dma_wait3A_218] : memref<8x128x32xf32, #tpu.memory_space<vmem>> -> memref<1x128x32xf32, #tpu.memory_space<vmem>>
    %dma_wait3A_220 = tpu.memref_squeeze %dma_wait3A_219 : memref<1x128x32xf32, #tpu.memory_space<vmem>> -> memref<128x32xf32, #tpu.memory_space<vmem>>
    tpu.wait_dma2 semaphore(%dma_wait3A_214 : memref<!tpu.dma_semaphore, #tpu.memory_space<semaphore_mem>>) src(%dma_wait3A_220 : memref<128x32xf32, #tpu.memory_space<vmem>>) dst(%dma_wait3A_216 : memref<128x32xf32, #tpu.memory_space<hbm>>)
    %dma_wait3A_221 = arith.constant 7 : i32
    %dma_wait3A_222 = arith.constant 7 : i32
    %dma_wait3A_223 = arith.constant 0 : i32
    %dma_wait3A_224 = arith.constant 0 : i32
    %dma_wait3A_225 = tpu.memref_slice %arg6[%dma_wait3A_221, %dma_wait3A_223, %dma_wait3A_224] : memref<8x128x32xf32, #tpu.memory_space<vmem>> -> memref<1x128x32xf32, #tpu.memory_space<vmem>>
    %dma_wait3A_226 = tpu.memref_squeeze %dma_wait3A_225 : memref<1x128x32xf32, #tpu.memory_space<vmem>> -> memref<128x32xf32, #tpu.memory_space<vmem>>
    %dma_wait3A_227 = arith.constant 0 : i32
    %dma_wait3A_228 = tpu.memref_slice %arg4[%mul3A_2, %dma_wait3A_227] : memref<819200x32xf32, #tpu.memory_space<hbm>> -> memref<128x32xf32, #tpu.memory_space<hbm>>
    %dma_wait3A_229 = tpu.memref_slice %arg8[%dma_wait3A_222] : memref<8x!tpu.dma_semaphore, #tpu.memory_space<semaphore_mem>> -> memref<1x!tpu.dma_semaphore, #tpu.memory_space<semaphore_mem>>
    %dma_wait3A_230 = tpu.memref_squeeze %dma_wait3A_229 : memref<1x!tpu.dma_semaphore, #tpu.memory_space<semaphore_mem>> -> memref<!tpu.dma_semaphore, #tpu.memory_space<semaphore_mem>>
    %dma_wait3A_231 = arith.constant 0 : i32
    %dma_wait3A_232 = tpu.memref_slice %arg4[%mul3A_2, %dma_wait3A_231] : memref<819200x32xf32, #tpu.memory_space<hbm>> -> memref<128x32xf32, #tpu.memory_space<hbm>>
    %dma_wait3A_233 = arith.constant 0 : i32
    %dma_wait3A_234 = arith.constant 0 : i32
    %dma_wait3A_235 = tpu.memref_slice %arg6[%dma_wait3A_221, %dma_wait3A_233, %dma_wait3A_234] : memref<8x128x32xf32, #tpu.memory_space<vmem>> -> memref<1x128x32xf32, #tpu.memory_space<vmem>>
    %dma_wait3A_236 = tpu.memref_squeeze %dma_wait3A_235 : memref<1x128x32xf32, #tpu.memory_space<vmem>> -> memref<128x32xf32, #tpu.memory_space<vmem>>
    tpu.wait_dma2 semaphore(%dma_wait3A_230 : memref<!tpu.dma_semaphore, #tpu.memory_space<semaphore_mem>>) src(%dma_wait3A_236 : memref<128x32xf32, #tpu.memory_space<vmem>>) dst(%dma_wait3A_232 : memref<128x32xf32, #tpu.memory_space<hbm>>)
    return
  }
}

</mosaic_0001>

<sc_bundles>
// kernel: kernel.3.cloned.1.call-start
scs
__scs_entry_jumppad:
0x0: {  	(pc) =	sbr.rel $0x88, $3  }
0x1: {  	(tag) =	ssettag $0x0;
	lr =	simm.s32 $0x1  }
0x2: {  	[smem:$0x3F9F] =	sst lr;
	_ =	strace $0xD0000000  }
0x3: {  	_ = 	snop  }
0x4: {  	_ = 	snop  }
0x5: {  	_ = 	snop  }
0x6: {  	_ = 	snop  }
0x7: {  	_ = 	snop  }
__scs_overlays_trampoline_lowered:
0x8: {  	[smem:$0x3FAE] =	sst s0  }
0x9: {  	[smem:$0x3FAF] =	sst s1  }
0xa: {  	[smem:$0x3FB0] =	sst s2  }
0xb: {  	[smem:$0x3FB1] =	sst s3  }
0xc: {  	[smem:$0x3FB2] =	sst s4  }
0xd: {  	[smem:$0x3FB3] =	sst s5  }
0xe: {  	[smem:$0x3FB4] =	sst s6  }
0xf: {  	[smem:$0x3FB5] =	sst s7  }
0x10: {  	[smem:$0x3FB6] =	sst s8  }
0x11: {  	[smem:$0x3FB7] =	sst s9;
	s0 =	simm.s32 @!p0 $0x0  }
0x12: {  	s1 =	sld [smem:$0x3F9D];
	s0 =	simm.s32 @p0 $0x1  }
0x13: {  	[smem:$0x3FB8] =	sst s0;
	s0 =	simm.s32 @!p1 $0x0  }
0x14: {  	s2 =	sld [smem:$0x3F9C];
	s0 =	simm.s32 @p1 $0x1  }
0x15: {  	[smem:$0x3FB9] =	sst s0;
	s0 =	simm.s32 @!p2 $0x0  }
0x16: {  	s3 =	sld [smem:$0x3FDB];
	s0 =	simm.s32 @p2 $0x1  }
0x17: {  	s4 =	simm.s32 $0x1BF5;
	[smem:$0x3FBB] =	sst s0  }
0x18: {  	s0 =	sld [smem:$0x3F9E];
	_ =	swait.ge [sflag:s4], $0x0  }
0x19: {  	s7 =	sld [smem:$0x3F9F]  }
0x1a: {  	s8 =	sadd.s32 $0xFFFFE003, lr  }
0x1b: {  	s9 =	sadd.s32 $0xFFFFFEF7, lr;
	s5 =	simm.s32 $0xFFFFFFFF;
	p2 =	slt.u32 s8, $0xFFFFF086  }
0x1c: {  	p1 =	slt.u32 s9, $0xF7A;
	s5 =	simm.s32 @!p2 $0x0  }
0x1d: {  	s5 =	simm.s32 @p1 $0x1;
	p0 =	seq.s32 s7, s2  }
0x1e: {  	s7 =	smul.u32 @!p0 $0xF7A, s2;
	p2 =	seq.s32 @!p0 s5, $0x0  }
0x1f: {  	s9 =	smul.u32 $0xF7A, s1;
	s8 =	simm.s32 @!p0 $0x1BF5;
	p2 =	por !p2, p0  }
0x20: {  	[sflag:s8] =	ssyncset.s32 @!p0 $0xFFFFF086;
	s6 =	sadd.s32 @!p0 s3, s7;
	s7 =	simm.s32 @!p0 $0x108  }
0x21: {  	s3 =	sadd.s32 s3, s9;
	s6 =	sadd.s32 @!p0 $0x88, s6;
	s7 =	simm.s32 @p2 $0x1082  }
0x22: {  	[simem:s7], [sflag:s8] =	dma.local @!p0 [hbm:s6], $0xF7A  }
0x23: {  	s9 =	sor.u32 $0xD0000000, s2;
	s6 =	simm.s32 $0x108;
	_ =	swait.ge @!p0 [sflag:s8], $0x0  }
0x24: {  	s3 =	sadd.s32 $0x88, s3;
	s6 =	simm.s32 @!p1 $0x1082;
	[sflag:s4] =	ssyncset.s32 $0xFFFFF086  }
0x25: {  	[simem:s6], [sflag:s4] =	dma.local [hbm:s3], $0xF7A  }
0x26: {  	[smem:$0x3F9F] =	sst s1;
	(tag) =	ssettag s2;
	_ =	strace s9  }
0x27: {  	s1 =	sld [smem:$0x3FAF]  }
0x28: {  	s2 =	sld [smem:$0x3FB0]  }
0x29: {  	s4 =	sld [smem:$0x3FB2]  }
0x2a: {  	p0 =	seq.s32 s5, $0x0;
	s5 =	sld [smem:$0x3FB3]  }
0x2b: {  	s6 =	sld [smem:$0x3FB4]  }
0x2c: {  	s7 =	sld [smem:$0x3FB5]  }
0x2d: {  	s3 =	simm.s32 $0x108;
	s8 =	sld [smem:$0x3FB6]  }
0x2e: {  	s3 =	simm.s32 @!p0 $0x1082;
	s9 =	sld [smem:$0x3FB7]  }
0x2f: {  	lr =	sadd.s32 s0, s3;
	s0 =	sld [smem:$0x3FAE]  }
0x30: {  	s3 =	sld [smem:$0x3FB1]  }
0x31: {  	[smem:$0x3FBA] =	sst s10  }
0x32: {  	s10 =	sld [smem:$0x3FB8];
	_ =	sdelay $0x3  }
0x33: {  	p0 =	seq.s32 s10, $0x1;
	s10 =	sld [smem:$0x3FBA];
	_ =	sdelay $0x3  }
0x34: {  	[smem:$0x3FBA] =	sst s10  }
0x35: {  	s10 =	sld [smem:$0x3FB9];
	_ =	sdelay $0x3  }
0x36: {  	p1 =	seq.s32 s10, $0x1;
	s10 =	sld [smem:$0x3FBA];
	_ =	sdelay $0x3  }
0x37: {  	[smem:$0x3FBA] =	sst s10  }
0x38: {  	s10 =	sld [smem:$0x3FBB]  }
0x39: {  	_ = 	snop;
	(pc) =	sbr.ind lr, $3  }
0x3a: {  	_ = 	snop  }
0x3b: {  	_ = 	snop  }
0x3c: {  	p2 =	seq.s32 s10, $0x1;
	s10 =	sld [smem:$0x3FBA]  }
0x3d: {  	_ =	shalt  }
0x3e: {  	_ =	shalt  }
0x3f: {  	_ =	shalt  }
0x40: {  	_ =	shalt  }
0x41: {  	_ =	shalt  }
0x42: {  	_ =	shalt  }
0x43: {  	_ =	shalt  }
0x44: {  	_ =	shalt  }
0x45: {  	_ =	shalt  }
0x46: {  	_ =	shalt  }
0x47: {  	_ =	shalt  }
0x48: {  	_ =	shalt  }
0x49: {  	_ =	shalt  }
0x4a: {  	_ =	shalt  }
0x4b: {  	_ =	shalt  }
0x4c: {  	_ =	shalt  }
0x4d: {  	_ =	shalt  }
0x4e: {  	_ =	shalt  }
0x4f: {  	_ =	shalt  }
0x50: {  	_ =	shalt  }
0x51: {  	_ =	shalt  }
0x52: {  	_ =	shalt  }
0x53: {  	_ =	shalt  }
0x54: {  	_ =	shalt  }
0x55: {  	_ =	shalt  }
0x56: {  	_ =	shalt  }
0x57: {  	_ =	shalt  }
0x58: {  	_ =	shalt  }
0x59: {  	_ =	shalt  }
0x5a: {  	_ =	shalt  }
0x5b: {  	_ =	shalt  }
0x5c: {  	_ =	shalt  }
0x5d: {  	_ =	shalt  }
0x5e: {  	_ =	shalt  }
0x5f: {  	_ =	shalt  }
0x60: {  	_ =	shalt  }
0x61: {  	_ =	shalt  }
0x62: {  	_ =	shalt  }
0x63: {  	_ =	shalt  }
0x64: {  	_ =	shalt  }
0x65: {  	_ =	shalt  }
0x66: {  	_ =	shalt  }
0x67: {  	_ =	shalt  }
0x68: {  	_ =	shalt  }
0x69: {  	_ =	shalt  }
0x6a: {  	_ =	shalt  }
0x6b: {  	_ =	shalt  }
0x6c: {  	_ =	shalt  }
0x6d: {  	_ =	shalt  }
0x6e: {  	_ =	shalt  }
0x6f: {  	_ =	shalt  }
0x70: {  	_ =	shalt  }
0x71: {  	_ =	shalt  }
0x72: {  	_ =	shalt  }
0x73: {  	_ =	shalt  }
0x74: {  	_ =	shalt  }
0x75: {  	_ =	shalt  }
0x76: {  	_ =	shalt  }
0x77: {  	_ =	shalt  }
0x78: {  	_ =	shalt  }
0x79: {  	_ =	shalt  }
0x7a: {  	_ =	shalt  }
0x7b: {  	_ =	shalt  }
0x7c: {  	_ =	shalt  }
0x7d: {  	_ =	shalt  }
0x7e: {  	_ =	shalt  }
0x7f: {  	_ =	shalt  }
0x80: {  	_ =	shalt  }
0x81: {  	_ =	shalt  }
0x82: {  	_ =	shalt  }
0x83: {  	_ =	shalt  }
0x84: {  	_ =	shalt  }
0x85: {  	_ =	shalt  }
0x86: {  	_ =	shalt  }
0x87: {  	_ =	shalt  }
.Lfunc_end0:
.L_simem_size_0:
called_computation.2_lowered:
.L_overlay_start_0:
0x88: {  	s2 =	sld [smem:$0x3FD9]  }
0x89: {  	s3 =	sld [smem:$0x3FFE];
	_ =	sdelay $0x1  }
0x8a: {  	s1 =	srdreg.scid  }
0x8b: {  	s0 =	sand.u32 $0x1, s1  }
0x8c: {  	s17 =	sshll.u32 s0, $0xA;
	s2 =	sadd.s32 s3, s2  }
0x8d: {  	s2 =	sadd.s32 s2, s17  }
0x8e: {  	[smem:$0x3FC6] =	sst s2  }
0x8f: {  	_ = 	snop  }
0x90: {  	s2 =	sld [smem:$0x3FD0];
	(tm) =	ssettm $0x1  }
0x91: {  	s18 =	sld [smem:$0x3FFB];
	_ =	sdelay $0x3  }
0x92: {  	_ =	strace s18  }
0x93: {  	s3 =	sld [smem:$0x3FFC];
	_ =	sdelay $0x3  }
0x94: {  	_ =	strace s3  }
0x95: {  	s3 =	sld [smem:$0x3FFD];
	_ =	sdelay $0x3  }
0x96: {  	_ =	strace s3  }
0x97: {  	_ =	strace $0x8FFFFFFF  }
0x98: {  	s19 =	sld [smem:$0x3FDB];
	_ =	sdelay $0x1  }
0x99: {  	s4 =	simm.s32 $_scs_section_size  }
0x9a: {  	s5 =	simm.s32 $_size__tile_overlayer_lowered;
	s6 =	simm.s32 $_tile_overlayer_lowered  }
0x9b: {  	s22 =	simm.s32 $0x1BFF;
	s21 =	sshll.u32 s6, $0x1;
	s3 =	sadd.s32 s4, s19  }
0x9c: {  	s7 =	simm.s32 $0x0;
	s20 =	sshll.u32 s5, $0x1;
	s5 =	sadd.s32 s21, s3  }
0x9d: {  	[timem:s7], [sflag:s22] =	dma.local [hbm:s5], s20  }
0x9e: {  	_ =	swait.ge [sflag:s22], s20  }
0x9f: {  	s4 =	ssub.s32 $0x0, s20;
	[sflag:s22] =	ssyncset.done $0x0  }
0xa0: {  	[sflag:s22] =	ssyncadd.s32 s4;
	_ =	sdelay $0x1  }
0xa1: {  	s23 =	simm.s32 $0x1B8B  }
0xa2: {  	_ =	swait.ge [sflag:s23], $0x1  }
0xa3: {  	[sflag:s23] =	ssyncset.done $0x0  }
0xa4: {  	s25 =	simm.s32 $0x1B8E;
	s24 =	sld [smem:$0x3FFE];
	[sflag:s23] =	ssyncadd.s32 $0xFFFFFFFF  }
0xa5: {  	s26 =	simm.s32 $execute0_lowered;
	[smem:$0x3FD2] =	sst s25  }
0xa6: {  	s5 =	sshll.u32 s26, $0x1;
	_ =	strace $0x80000046;
	[dreg:$0x1] =	wrdreg $0xFFFFFFFF  }
0xa7: {  	s28 =	simm.s32 $_size_execute0_lowered;
	s3 =	sadd.s32 s3, s5;
	[dreg:$0x0] =	wrdreg $0x0  }
0xa8: {  	s5 =	sshll.u32 s28, $0x1;
	[dreg:$0x2] =	wrdreg s3  }
0xa9: {  	[dreg:$0x3] =	wrdreg s5  }
0xaa: {  	[dreg:$0x4] =	wrdreg $0xC0  }
0xab: {  	_ =	task [dreg:s7], $0x5FFFF  }
0xac: {  	[dreg:$0x1] =	wrdreg $0xFFFFFFFF  }
0xad: {  	[dreg:$0x0] =	wrdreg $0x60  }
0xae: {  	[dreg:$0x2] =	wrdreg s24  }
0xaf: {  	[dreg:$0x3] =	wrdreg s2  }
0xb0: {  	[dreg:$0x4] =	wrdreg $0x9  }
0xb1: {  	_ =	task.clear_ibuf [dreg:s7], $0x5FFFF;
	_ =	strace $0x90000046  }
0xb2: {  	s29 =	simm.s32 $0x9;
	_ =	strace $0x80000048  }
0xb3: {  	_ =	swait.ge [sflag:s29], $0x1  }
0xb4: {  	[sflag:s29] =	ssyncadd.s32 $0xFFFFFFFF  }
0xb5: {  	_ =	strace $0x90000048  }
0xb6: {  	_ =	sfence  }
0xb7: {  	s30 =	sld [smem:$0x0];
	_ =	sdelay $0x2  }
0xb8: {  	s31 =	sshll.u32 s1, $0xD;
	s1 =	sshrl.u32 s1, $0x2  }
0xb9: {  	s3 =	sand.u32 $0x4000, s31;
	s1 =	sadd.s32 s1, s30  }
0xba: {  	s0 =	sor.u32 s3, s0;
	s1 =	sshll.u32 s1, $0x11  }
0xbb: {  	s0 =	sor.u32 s1, s0  }
0xbc: {  	s0 =	sadd.s32 $0x8F2B, s0  }
0xbd: {  	[sflag:s0] =	ssyncadd.remote.s32 $0x1  }
0xbe: {  	_ =	sfence.sel $0xFFFF  }
0xbf: {  	[dreg:$0x0] =	wrdreg $0xFFFFFFFF;
	(pc) =	sbr.abs _section_cstart, $3  }
0xc0: {  	[dreg:$0x1] =	wrdreg $0xFFFFFFFF  }
0xc1: {  	_ =	task.clear_ibuf [dreg:s7], $0x2FFFF;
	_ =	strace $0x9FFFFFFF  }
0xc2: {  	(tm) =	ssettm $0x7FFFFFFF  }
0xc3: {  	_ =	shalt  }
tec
execute0_lowered:
.L_overlay_start_1:
0x0: {  	(tag) =	ssettag $0x1  }
0x1: {  	s0 =	srdreg.scid;
	s1 =	rddreg [dreg:$0x0]  }
0x2: {  	s7 =	stileid.u32;
	s4 =	rddreg [dreg:$0x1];
	s15 =	simm.s32 $0x80  }
0x3: {  	s19 =	simm.s32 $0x8400;
	s21 =	simm.s32 $0x9400;
	s23 =	simm.s32 $0xA400  }
0x4: {  	s28 =	simm.s32 $0xC400;
	s30 =	simm.s32 $0xD400;
	s31 =	simm.s32 $0x1  }
0x5: {  	s18 =	simm.s32 $0x4;
	s20 =	simm.s32 $0x5;
	s6 =	smul.u32 $0x190000, s7  }
0x6: {  	s0 =	sand.u32 $0x1, s0;
	s2 =	sshll.u32 s7, $0x1;
	s7 =	smul.u32 $0xC800, s7  }
0x7: {  	s22 =	simm.s32 $0x6;
	s24 =	simm.s32 $0x7;
	s8 =	smul.u32 $0x6400, s0  }
0x8: {  	s3 =	sor.u32 s0, s2;
	s9 =	ssub.s32 $0x2, s0;
	s0 =	smul.u32 $0xC8000, s0  }
0x9: {  	s14 =	simm.s32 $0x10;
	s2 =	simm.s32 $0x0;
	s5 =	smul.u32 $0x6400, s3  }
0xa: {  	[smem:$0x7FF] =	sst s2;
	s3 =	sadd.s32 $0xF43200, s1;
	s25 =	sshrl.u32 s9, $0x1  }
0xb: {  	_ =	strace $0x80000047;
	s7 =	sadd.s32 s8, s7;
	s0 =	sadd.s32 s0, s6  }
0xc: {  	s5 =	sshrl.u32 s5, $0x3;
	s26 =	sshll.u32 s7, $0x2;
	s0 =	sshrl.u32 s0, $0x3  }
0xd: {  	s1 =	sadd.s32 s5, s1;
	s5 =	ssub.s32 s9, s25;
	s29 =	sadd.s32 s26, s4  }
0xe: {  	s6 =	sadd.s32 s0, s4;
	s25 =	simm.s32 $0xB400;
	s0 =	simm.s32 $0x3  }
.Ltmp0:
0xf: {  	s26 =	simm.s32 $0x8;
	s1 =	sadd.s32 $0xE00, s1;
	(pc) =	sbr.rel .LBB2_1-.Ltmp0, $4  }
0x10: {  	s5 =	smax.u32 s5, $0x1;
	s7 =	sadd.s32 $0xE00, s29;
	s8 =	sadd.s32 $0xC00, s29  }
0x11: {  	s9 =	sadd.s32 $0xA00, s29;
	s10 =	sadd.s32 $0x800, s29;
	s11 =	sadd.s32 $0x600, s29  }
0x12: {  	s12 =	sadd.s32 $0x400, s29;
	s13 =	sadd.s32 $0x200, s29;
	[dreg:$0x3] =	wrdreg s1  }
0x13: {  	[dreg:$0x4] =	wrdreg s5;
	s1 =	simm.s32 $0x2;
	s5 =	simm.s32 $0x0  }
.LBB2_4:
0x14: {  	s4 =	simm.s32 $0x9  }
0x15: {  	_ =	swait.ge [sflag:s4], $0x1000  }
0x16: {  	[sflag:s4] =	ssyncset.done $0x0  }
0x17: {  	s16 =	simm.s32 $0xA;
	[sflag:s4] =	ssyncadd.s32 $0xFFFFF000  }
0x18: {  	_ =	swait.ge [sflag:s16], $0x1000  }
0x19: {  	[sflag:s16] =	ssyncset.done $0x0  }
0x1a: {  	s17 =	simm.s32 $0xB;
	[sflag:s16] =	ssyncadd.s32 $0xFFFFF000  }
0x1b: {  	_ =	swait.ge [sflag:s17], $0x1000  }
0x1c: {  	[sflag:s17] =	ssyncset.done $0x0  }
0x1d: {  	s29 =	simm.s32 $0xC;
	[sflag:s17] =	ssyncadd.s32 $0xFFFFF000  }
0x1e: {  	_ =	swait.ge [sflag:s29], $0x1000  }
0x1f: {  	[sflag:s29] =	ssyncset.done $0x0  }
0x20: {  	s5 =	simm.s32 $0xD;
	[sflag:s29] =	ssyncadd.s32 $0xFFFFF000  }
0x21: {  	_ =	swait.ge [sflag:s5], $0x1000  }
0x22: {  	[sflag:s5] =	ssyncset.done $0x0  }
0x23: {  	s16 =	simm.s32 $0xE;
	[sflag:s5] =	ssyncadd.s32 $0xFFFFF000  }
0x24: {  	_ =	swait.ge [sflag:s16], $0x1000  }
0x25: {  	[sflag:s16] =	ssyncset.done $0x0  }
0x26: {  	s17 =	simm.s32 $0xF;
	[sflag:s16] =	ssyncadd.s32 $0xFFFFF000  }
0x27: {  	_ =	swait.ge [sflag:s17], $0x1000  }
0x28: {  	[sflag:s17] =	ssyncset.done $0x0  }
0x29: {  	[sflag:s17] =	ssyncadd.s32 $0xFFFFF000  }
0x2a: {  	_ =	swait.ge [sflag:s14], $0x1000  }
0x2b: {  	s5 =	rddreg [dreg:$0x5]  }
0x2c: {  	s29 =	rddreg [dreg:$0x4];
	s5 =	sadd.s32 $0x1, s5  }
0x2d: {  	p0 =	sne.s32 s5, s29  }
.Ltmp1:
0x2e: {  	_ = 	snop;
	(pc) =	sbr.rel @!p0 .LBB2_5-.Ltmp1, $3  }
0x2f: {  	_ =	sdelay $0x1  }
0x30: {  	[sflag:s14] =	ssyncset.done $0x0  }
0x31: {  	[sflag:s14] =	ssyncadd.s32 $0xFFFFF000  }
.LBB2_1:
0x32: {  	[dreg:$0x5] =	wrdreg s5  }
0x33: {  	s4 =	rddreg [dreg:$0x3];
	s29 =	simm.s32 $0x11  }
0x34: {  	[tilespmem:s2], [sflag:$0x11] =	stream.linear.gather [hbm4b:s4+s2], $0x6400, $0x38;
	[tilespmem:$0xE400] =	vst v63  }
0x35: {  	_ =	swait.ge [sflag:s29], $0x6400  }
0x36: {  	[sflag:s29] =	ssyncset.done $0x0  }
0x37: {  	s5 =	simm.s32 $0x6400;
	[sflag:s29] =	ssyncadd.s32 $0xFFFF9C00  }
0x38: {  	[tilespmem:s5], [sflag:$0x1] =	stream.indirect.gather [hbm4b:s3+s15], $0x20, s2, s15, $0xb8;
	[tilespmem:$0xE400] =	vst v63  }
0x39: {  	s16 =	simm.s32 $0x7400  }
0x3a: {  	[tilespmem:s16], [sflag:$0x2] =	stream.indirect.gather [hbm4b:s3+s15], $0x20, s15, s15, $0xb8;
	[tilespmem:$0xE400] =	vst v63  }
0x3b: {  	s17 =	simm.s32 $0x100  }
0x3c: {  	[tilespmem:s19], [sflag:$0x3] =	stream.indirect.gather [hbm4b:s3+s15], $0x20, s17, s15, $0xb8;
	[tilespmem:$0xE400] =	vst v63  }
0x3d: {  	s29 =	simm.s32 $0x180  }
0x3e: {  	[tilespmem:s21], [sflag:$0x4] =	stream.indirect.gather [hbm4b:s3+s15], $0x20, s29, s15, $0xb8;
	[tilespmem:$0xE400] =	vst v63  }
0x3f: {  	s5 =	simm.s32 $0x200  }
0x40: {  	[tilespmem:s23], [sflag:$0x5] =	stream.indirect.gather [hbm4b:s3+s15], $0x20, s5, s15, $0xb8;
	[tilespmem:$0xE400] =	vst v63  }
0x41: {  	s16 =	simm.s32 $0x280  }
0x42: {  	[tilespmem:s25], [sflag:$0x6] =	stream.indirect.gather [hbm4b:s3+s15], $0x20, s16, s15, $0xb8;
	[tilespmem:$0xE400] =	vst v63  }
0x43: {  	s17 =	simm.s32 $0x300  }
0x44: {  	[tilespmem:s28], [sflag:$0x7] =	stream.indirect.gather [hbm4b:s3+s15], $0x20, s17, s15, $0xb8;
	[tilespmem:$0xE400] =	vst v63  }
0x45: {  	s4 =	simm.s32 $0x0;
	s29 =	simm.s32 $0x380  }
0x46: {  	[tilespmem:s30], [sflag:$0x8] =	stream.indirect.gather [hbm4b:s3+s15], $0x20, s29, s15, $0xb8;
	[tilespmem:$0xE400] =	vst v63  }
.LBB2_2:
0x47: {  	_ =	swait.ge [sflag:s31], $0x1000  }
0x48: {  	s5 =	sadd.s32 s4, s6;
	[sflag:s31] =	ssyncset.done $0x0  }
0x49: {  	s16 =	simm.s32 $0x6400;
	p0 =	seq.s32 s4, $0x18000;
	[sflag:s31] =	ssyncadd.s32 $0xFFFFF000  }
0x4a: {  	[hbm4b:s5+s2] =	stream.linear.scatter [tilespmem:s16], [sflag:$0x9], $0x1000, $0x38;
	[tilespmem:$0xE400] =	vst v63  }
0x4b: {  	s5 =	simm.s32 @!p0 $0x9  }
0x4c: {  	_ =	swait.ge @!p0 [sflag:s5], $0x1000  }
0x4d: {  	[sflag:s5] =	ssyncset.done @!p0 $0x0  }
0x4e: {  	[sflag:s5] =	ssyncadd.s32 @!p0 $0xFFFFF000;
	s5 =	sshra.s32 @!p0 s4, $0x2  }
0x4f: {  	s29 =	simm.s32 @!p0 $0x80;
	s17 =	simm.s32 @!p0 $0x6400;
	s16 =	sadd.s32 @!p0 $0x400, s5  }
0x50: {  	[tilespmem:s17], [sflag:$0x1] =	stream.indirect.gather @!p0 [hbm4b:s3+s29], $0x20, s16, s29, $0xb8;
	[tilespmem:$0xE400] =	vst v63  }
0x51: {  	_ =	swait.ge [sflag:s1], $0x1000  }
0x52: {  	[sflag:s1] =	ssyncset.done $0x0  }
0x53: {  	s16 =	sadd.s32 s4, s13;
	s17 =	simm.s32 $0x7400;
	[sflag:s1] =	ssyncadd.s32 $0xFFFFF000  }
0x54: {  	[hbm4b:s16+s2] =	stream.linear.scatter [tilespmem:s17], [sflag:$0xA], $0x1000, $0x38;
	[tilespmem:$0xE400] =	vst v63  }
0x55: {  	s16 =	simm.s32 @!p0 $0xA  }
0x56: {  	_ =	swait.ge @!p0 [sflag:s16], $0x1000  }
0x57: {  	[sflag:s16] =	ssyncset.done @!p0 $0x0  }
0x58: {  	s17 =	simm.s32 @!p0 $0x7400;
	[sflag:s16] =	ssyncadd.s32 @!p0 $0xFFFFF000;
	s16 =	sadd.s32 @!p0 $0x480, s5  }
0x59: {  	[tilespmem:s17], [sflag:$0x2] =	stream.indirect.gather @!p0 [hbm4b:s3+s29], $0x20, s16, s29, $0xb8;
	[tilespmem:$0xE400] =	vst v63  }
0x5a: {  	_ =	swait.ge [sflag:s0], $0x1000  }
0x5b: {  	[sflag:s0] =	ssyncset.done $0x0  }
0x5c: {  	s17 =	sadd.s32 s4, s12;
	s16 =	simm.s32 @!p0 $0xB;
	[sflag:s0] =	ssyncadd.s32 $0xFFFFF000  }
0x5d: {  	[hbm4b:s17+s2] =	stream.linear.scatter [tilespmem:s19], [sflag:$0xB], $0x1000, $0x38;
	[tilespmem:$0xE400] =	vst v63  }
0x5e: {  	_ =	swait.ge @!p0 [sflag:s16], $0x1000  }
0x5f: {  	[sflag:s16] =	ssyncset.done @!p0 $0x0  }
0x60: {  	s17 =	simm.s32 @!p0 $0x8400;
	[sflag:s16] =	ssyncadd.s32 @!p0 $0xFFFFF000;
	s16 =	sadd.s32 @!p0 $0x500, s5  }
0x61: {  	[tilespmem:s17], [sflag:$0x3] =	stream.indirect.gather @!p0 [hbm4b:s3+s29], $0x20, s16, s29, $0xb8;
	[tilespmem:$0xE400] =	vst v63  }
0x62: {  	_ =	swait.ge [sflag:s18], $0x1000  }
0x63: {  	[sflag:s18] =	ssyncset.done $0x0  }
0x64: {  	s17 =	sadd.s32 s4, s11;
	s16 =	simm.s32 @!p0 $0xC;
	[sflag:s18] =	ssyncadd.s32 $0xFFFFF000  }
0x65: {  	[hbm4b:s17+s2] =	stream.linear.scatter [tilespmem:s21], [sflag:$0xC], $0x1000, $0x38;
	[tilespmem:$0xE400] =	vst v63  }
0x66: {  	_ =	swait.ge @!p0 [sflag:s16], $0x1000  }
0x67: {  	[sflag:s16] =	ssyncset.done @!p0 $0x0  }
0x68: {  	s17 =	simm.s32 @!p0 $0x9400;
	[sflag:s16] =	ssyncadd.s32 @!p0 $0xFFFFF000;
	s16 =	sadd.s32 @!p0 $0x580, s5  }
0x69: {  	[tilespmem:s17], [sflag:$0x4] =	stream.indirect.gather @!p0 [hbm4b:s3+s29], $0x20, s16, s29, $0xb8;
	[tilespmem:$0xE400] =	vst v63  }
0x6a: {  	_ =	swait.ge [sflag:s20], $0x1000  }
0x6b: {  	[sflag:s20] =	ssyncset.done $0x0  }
0x6c: {  	s17 =	sadd.s32 s4, s10;
	s16 =	simm.s32 @!p0 $0xD;
	[sflag:s20] =	ssyncadd.s32 $0xFFFFF000  }
0x6d: {  	[hbm4b:s17+s2] =	stream.linear.scatter [tilespmem:s23], [sflag:$0xD], $0x1000, $0x38;
	[tilespmem:$0xE400] =	vst v63  }
0x6e: {  	_ =	swait.ge @!p0 [sflag:s16], $0x1000  }
0x6f: {  	[sflag:s16] =	ssyncset.done @!p0 $0x0  }
0x70: {  	s17 =	simm.s32 @!p0 $0xA400;
	[sflag:s16] =	ssyncadd.s32 @!p0 $0xFFFFF000;
	s16 =	sadd.s32 @!p0 $0x600, s5  }
0x71: {  	[tilespmem:s17], [sflag:$0x5] =	stream.indirect.gather @!p0 [hbm4b:s3+s29], $0x20, s16, s29, $0xb8;
	[tilespmem:$0xE400] =	vst v63  }
0x72: {  	_ =	swait.ge [sflag:s22], $0x1000  }
0x73: {  	[sflag:s22] =	ssyncset.done $0x0  }
0x74: {  	s17 =	sadd.s32 s4, s9;
	s16 =	simm.s32 @!p0 $0xE;
	[sflag:s22] =	ssyncadd.s32 $0xFFFFF000  }
0x75: {  	[hbm4b:s17+s2] =	stream.linear.scatter [tilespmem:s25], [sflag:$0xE], $0x1000, $0x38;
	[tilespmem:$0xE400] =	vst v63  }
0x76: {  	_ =	swait.ge @!p0 [sflag:s16], $0x1000  }
0x77: {  	[sflag:s16] =	ssyncset.done @!p0 $0x0  }
0x78: {  	s17 =	simm.s32 @!p0 $0xB400;
	[sflag:s16] =	ssyncadd.s32 @!p0 $0xFFFFF000;
	s16 =	sadd.s32 @!p0 $0x680, s5  }
0x79: {  	[tilespmem:s17], [sflag:$0x6] =	stream.indirect.gather @!p0 [hbm4b:s3+s29], $0x20, s16, s29, $0xb8;
	[tilespmem:$0xE400] =	vst v63  }
0x7a: {  	_ =	swait.ge [sflag:s24], $0x1000  }
0x7b: {  	[sflag:s24] =	ssyncset.done $0x0  }
0x7c: {  	s17 =	sadd.s32 s4, s8;
	s16 =	simm.s32 @!p0 $0xF;
	[sflag:s24] =	ssyncadd.s32 $0xFFFFF000  }
0x7d: {  	[hbm4b:s17+s2] =	stream.linear.scatter [tilespmem:s28], [sflag:$0xF], $0x1000, $0x38;
	[tilespmem:$0xE400] =	vst v63  }
0x7e: {  	_ =	swait.ge @!p0 [sflag:s16], $0x1000  }
0x7f: {  	[sflag:s16] =	ssyncset.done @!p0 $0x0  }
0x80: {  	s5 =	sadd.s32 @!p0 $0x700, s5;
	[sflag:s16] =	ssyncadd.s32 @!p0 $0xFFFFF000;
	s16 =	simm.s32 @!p0 $0xC400  }
0x81: {  	[tilespmem:s16], [sflag:$0x7] =	stream.indirect.gather @!p0 [hbm4b:s3+s29], $0x20, s5, s29, $0xb8;
	[tilespmem:$0xE400] =	vst v63  }
.Ltmp2:
0x82: {  	_ = 	snop;
	(pc) =	sbr.rel @p0 .LBB2_4-.Ltmp2, $4  }
0x83: {  	_ =	swait.ge [sflag:s26], $0x1000  }
0x84: {  	[sflag:s26] =	ssyncset.done $0x0  }
0x85: {  	s29 =	sadd.s32 s4, s7;
	[sflag:s26] =	ssyncadd.s32 $0xFFFFF000  }
0x86: {  	[hbm4b:s29+s2] =	stream.linear.scatter [tilespmem:s30], [sflag:$0x10], $0x1000, $0x38;
	[tilespmem:$0xE400] =	vst v63  }
.Ltmp3:
0x87: {  	(pc) =	sbr.rel .LBB2_2-.Ltmp3, $4  }
0x88: {  	_ =	swait.ge [sflag:s14], $0x1000  }
0x89: {  	s5 =	sshra.s32 s4, $0x2;
	[sflag:s14] =	ssyncset.done $0x0  }
0x8a: {  	s4 =	sadd.s32 $0x1000, s4;
	s5 =	sadd.s32 $0x780, s5;
	[sflag:s14] =	ssyncadd.s32 $0xFFFFF000  }
0x8b: {  	[tilespmem:s30], [sflag:$0x8] =	stream.indirect.gather [hbm4b:s3+s15], $0x20, s5, s15, $0xb8;
	[tilespmem:$0xE400] =	vst v63  }
.LBB2_5:
0x8c: {  	_ =	sfence.sel $0x180000  }
0x8d: {  	[bflag:$0x0] =	sbarrier.arrive $0xFFFF  }
0x8e: {  	_ =	strace $0x90000047  }
0x8f: {  	s0 =	stileid.u32;
	[bflag:$0x2] =	sbarrier.arrive $0xFFFF  }
0x90: {  	p0 =	sne.s32 s0, $0x0;
	s0 =	rddreg [dreg:$0x2]  }
0x91: {  	s0 =	sadd.s32 @!p0 $0x100000, s0  }
0x92: {  	[sflag:s0] =	ssyncadd.tile.s32 @!p0 $0x1;
	_ =	shalt  }
.Lfunc_end2:
_tile_overlayer_lowered:
.L_overlay_start_2:
0x93: {  	(tag) =	ssettag $0x2  }
0x94: {  	s0 =	rddreg [dreg:$0x0];
	s2 =	stileid.u32  }
0x95: {  	s1 =	rddreg [dreg:$0x1];
	p0 =	sne.s32 s2, $0x0  }
0x96: {  	s3 =	rddreg [dreg:$0x2];
	[bflag:$0x3] =	sbarrier.arrive $0xFFFF;
	s2 =	simm.s32 @!p0 $0x1C11  }
0x97: {  	[timem:s3], [sflag:s2] =	dma.local @!p0 [hbm:s0], s1  }
0x98: {  	s0 =	simm.s32 @!p0 $0x11  }
0x99: {  	_ =	swait.ge @!p0 [sflag:s0], s1  }
0x9a: {  	s1 =	ssub.s32 @!p0 $0x0, s1;
	[sflag:s0] =	ssyncset.done @!p0 $0x0  }
0x9b: {  	[sflag:s0] =	ssyncadd.s32 @!p0 s1  }
0x9c: {  	[bflag:$0x3] =	sbarrier.arrive $0xFFFF  }
0x9d: {  	_ =	shalt  }

// kernel: sparse-core-data-format-call.1.cloned.1.call-start
scs
called_computation.1_lowered:
.L_overlay_start_0:
0x0: {  	s2 =	sld [smem:$0x3FD9]  }
0x1: {  	s3 =	sld [smem:$0x3FFE];
	_ =	sdelay $0x1  }
0x2: {  	s1 =	srdreg.scid  }
0x3: {  	s0 =	sand.u32 $0x1, s1  }
0x4: {  	s18 =	sshll.u32 s0, $0xA;
	s2 =	sadd.s32 s3, s2  }
0x5: {  	s2 =	sadd.s32 s2, s18  }
0x6: {  	[smem:$0x3FC6] =	sst s2  }
0x7: {  	_ = 	snop  }
0x8: {  	s2 =	sld [smem:$0x3FD0];
	(tm) =	ssettm $0x1  }
0x9: {  	s19 =	sld [smem:$0x3FFB];
	_ =	sdelay $0x3  }
0xa: {  	_ =	strace s19  }
0xb: {  	s3 =	sld [smem:$0x3FFC];
	_ =	sdelay $0x3  }
0xc: {  	_ =	strace s3  }
0xd: {  	s3 =	sld [smem:$0x3FFD];
	_ =	sdelay $0x3  }
0xe: {  	_ =	strace s3  }
0xf: {  	_ =	strace $0x8FFFFFFF  }
0x10: {  	s20 =	sld [smem:$0x3FDB];
	_ =	sdelay $0x1  }
0x11: {  	s4 =	simm.s32 $_scs_section_size  }
0x12: {  	s5 =	simm.s32 $_size__tile_overlayer_lowered;
	s6 =	simm.s32 $_tile_overlayer_lowered  }
0x13: {  	s23 =	simm.s32 $0x1BFF;
	s22 =	sshll.u32 s6, $0x1;
	s3 =	sadd.s32 s4, s20  }
0x14: {  	s7 =	simm.s32 $0x0;
	s21 =	sshll.u32 s5, $0x1;
	s5 =	sadd.s32 s22, s3  }
0x15: {  	[timem:s7], [sflag:s23] =	dma.local [hbm:s5], s21  }
0x16: {  	_ =	swait.ge [sflag:s23], s21  }
0x17: {  	s4 =	ssub.s32 $0x0, s21;
	[sflag:s23] =	ssyncset.done $0x0  }
0x18: {  	[sflag:s23] =	ssyncadd.s32 s4;
	_ =	sdelay $0x1  }
0x19: {  	s24 =	simm.s32 $0x1B8B  }
0x1a: {  	_ =	swait.ge [sflag:s24], $0x1  }
0x1b: {  	[sflag:s24] =	ssyncset.done $0x0  }
0x1c: {  	s26 =	simm.s32 $0x1B8E;
	s25 =	sld [smem:$0x3FFE];
	[sflag:s24] =	ssyncadd.s32 $0xFFFFFFFF  }
0x1d: {  	s27 =	simm.s32 $execute0_lowered;
	[smem:$0x3FD2] =	sst s26  }
0x1e: {  	s5 =	sshll.u32 s27, $0x1;
	_ =	strace $0x80000049;
	[dreg:$0x1] =	wrdreg $0xFFFFFFFF  }
0x1f: {  	s28 =	simm.s32 $_size_execute0_lowered;
	s3 =	sadd.s32 s3, s5;
	[dreg:$0x0] =	wrdreg $0x0  }
0x20: {  	s5 =	sshll.u32 s28, $0x1;
	[dreg:$0x2] =	wrdreg s3  }
0x21: {  	[dreg:$0x3] =	wrdreg s5  }
0x22: {  	[dreg:$0x4] =	wrdreg $0xC0  }
0x23: {  	_ =	task [dreg:s7], $0x5FFFF  }
0x24: {  	[dreg:$0x1] =	wrdreg $0xFFFFFFFF  }
0x25: {  	[dreg:$0x0] =	wrdreg $0x60  }
0x26: {  	[dreg:$0x2] =	wrdreg s25  }
0x27: {  	[dreg:$0x3] =	wrdreg s2  }
0x28: {  	[dreg:$0x4] =	wrdreg $0x9  }
0x29: {  	_ =	task.clear_ibuf [dreg:s7], $0x5FFFF;
	_ =	strace $0x90000049  }
0x2a: {  	s29 =	simm.s32 $0x9;
	_ =	strace $0x8000004B  }
0x2b: {  	_ =	swait.ge [sflag:s29], $0x1  }
0x2c: {  	[sflag:s29] =	ssyncadd.s32 $0xFFFFFFFF  }
0x2d: {  	_ =	strace $0x9000004B  }
0x2e: {  	_ =	sfence  }
0x2f: {  	s30 =	sld [smem:$0x0];
	_ =	sdelay $0x2  }
0x30: {  	s31 =	sshll.u32 s1, $0xD;
	s1 =	sshrl.u32 s1, $0x2  }
0x31: {  	s3 =	sand.u32 $0x4000, s31;
	s1 =	sadd.s32 s1, s30  }
0x32: {  	s0 =	sor.u32 s3, s0;
	s1 =	sshll.u32 s1, $0x11  }
0x33: {  	s0 =	sor.u32 s1, s0  }
0x34: {  	s0 =	sadd.s32 $0x8F2B, s0  }
0x35: {  	[sflag:s0] =	ssyncadd.remote.s32 $0x1  }
0x36: {  	_ =	sfence.sel $0xFFFF  }
0x37: {  	[dreg:$0x0] =	wrdreg $0xFFFFFFFF;
	(pc) =	sbr.abs _section_cstart, $3  }
0x38: {  	[dreg:$0x1] =	wrdreg $0xFFFFFFFF  }
0x39: {  	_ =	task.clear_ibuf [dreg:s7], $0x2FFFF;
	_ =	strace $0x9FFFFFFF  }
0x3a: {  	(tm) =	ssettm $0x7FFFFFFF  }
0x3b: {  	_ =	shalt  }
tec
execute0_lowered:
.L_overlay_start_1:
0x0: {  	(tag) =	ssettag $0x1  }
0x1: {  	s0 =	srdreg.scid  }
0x2: {  	s1 =	sshll.u32 s0, $0x4  }
0x3: {  	s4 =	rddreg [dreg:$0x0];
	s0 =	stileid.u32;
	s1 =	sand.u32 $0x10, s1  }
0x4: {  	s2 =	rddreg [dreg:$0x1];
	s7 =	simm.s32 $0x1;
	s1 =	sor.u32 s0, s1  }
0x5: {  	s8 =	simm.s32 $0x2;
	s11 =	simm.s32 $0x0;
	s3 =	sshll.u32 s1, $0x7  }
0x6: {  	s10 =	simm.s32 $0x0;
	s4 =	sadd.s32 $0xE00, s4;
	s6 =	ssub.s32 $0xC8000, s3  }
.Ltmp0:
0x7: {  	s1 =	rddreg [dreg:$0x2];
	s5 =	sand.u32 $0xF80, s6;
	(pc) =	sbr.rel .LBB1_1-.Ltmp0, $4  }
0x8: {  	_ =	strace $0x8000004A;
	s9 =	smov.u32 s3;
	p0 =	sne.s32 s5, $0x0  }
0x9: {  	s6 =	sshrl.u32 s6, $0xC;
	s5 =	simm.s32 $0x1;
	s7 =	simm.s32 @!p0 $0x0  }
0xa: {  	[sflag:s5] =	ssyncpa.u1 $0x0;
	p0 =	por $0x0, $0x0;
	s6 =	sadd.s32 s7, s6  }
0xb: {  	[sflag:s8] =	ssyncpa.u1 $0x0;
	s8 =	simm.s32 $0x640000;
	s7 =	sadd.s32 $0x1, s6  }
.LBB1_4:
0xc: {  	s14 =	sshll.u32 s11, $0x3  }
0xd: {  	s30 =	sand.u32 $0x7F, s11;
	s15 =	sand.u32 $0xFFFFFC00, s14  }
0xe: {  	s11 =	sor.u32 s30, s15  }
0xf: {  	s15 =	smulhi.u32 $0x51EB851F, s11  }
0x10: {  	s14 =	smulhi.u32 $0x51EB851F, s14  }
0x11: {  	s15 =	sshrl.u32 s15, $0x12  }
0x12: {  	s14 =	sshrl.u32 s14, $0x12;
	s15 =	smul.u32 $0xC8000, s15  }
0x13: {  	s14 =	sand.u32 $0x1F, s14  }
0x14: {  	s14 =	smul.u32 $0x19000, s14;
	s11 =	ssub.s32 s11, s15  }
0x15: {  	s15 =	sand.u32 $0x7, s11  }
0x16: {  	s14 =	sadd.s32 s2, s14;
	s11 =	sshrl.u32 s11, $0x3;
	s15 =	sshll.u32 s15, $0x12  }
0x17: {  	[tilespmem:s13+$0x0 ss:$0x81] =	vst.msk $0xffff, v0;
	s11 =	sadd.s32 s11, s14;
	s31 =	sor.u32 $0x400, s15  }
0x18: {  	[hbm4b:s11+s31] =	stream.strided.scatter [tilespmem:s12], [sflag:$0x2], $0x1000, s8, s31, $0x20;
	[tilespmem:$0x4040] =	vst v63  }
.LBB1_5:
0x19: {  	s13 =	sadd.s32 $0x1000, s9  }
0x1a: {  	p2 =	sgt.s32 s13, $0xC7FFF  }
0x1b: {  	s13 =	smov.u32 @p2 s3;
	p2 =	sne.s32 s10, s7  }
.Ltmp1:
0x1c: {  	p1 =	slt.u32 s10, $0x2;
	(pc) =	sbr.rel @!p2 .LBB1_6-.Ltmp1, $4  }
0x1d: {  	s12 =	simm.s32 @!p1 $0x2  }
0x1e: {  	s14 =	sadd.s32 $0x1, s10;
	_ =	swait.ge @!p1 [sflag:s12], $0x1000  }
0x1f: {  	s11 =	smov.u32 s9;
	p0 =	por !p0, !p0;
	[sflag:s12] =	ssyncset.done @!p1 $0x0  }
0x20: {  	s10 =	smov.u32 s14;
	s9 =	smov.u32 s13;
	[sflag:s12] =	ssyncadd.s32 @!p1 $0xFFFFF000  }
.LBB1_1:
0x21: {  	p1 =	sge.u32 s10, s6  }
0x22: {  	s12 =	sand.u32 @!p1 $0x1FFFFFF, s9  }
0x23: {  	s13 =	smulhi.u32 @!p1 $0x147AE15, s12;
	_ =	sdelay $0x1  }
0x24: {  	s13 =	sshrl.u32 @!p1 s13, $0xC  }
0x25: {  	s13 =	smul.u32 @!p1 $0xC8000, s13;
	_ =	sdelay $0x1  }
0x26: {  	s31 =	sadd.s32 $0xFFFFFFFF, s10;
	s14 =	sxor.u32 @!p1 $0xFFFFFFFF, s10;
	s12 =	ssub.s32 @!p1 s12, s13  }
0x27: {  	s15 =	simm.s32 @!p1 $0x80;
	s14 =	sshll.u32 @!p1 s14, $0xC;
	s12 =	sshll.u32 @!p1 s12, $0x4  }
0x28: {  	s13 =	sand.u32 @!p1 $0x1000, s14;
	s14 =	simm.s32 @!p1 $0x20;
	s12 =	sadd.s32 @!p1 s4, s12  }
0x29: {  	[tilespmem:s13], [sflag:$0x1] =	stream.strided.gather @!p1 [hbm4b:s12+s14], $0x1000, s15, s14, $0x38;
	[tilespmem:$0x4040] =	vst v63  }
0x2a: {  	p1 =	sge.u32 s31, s6  }
.Ltmp2:
0x2b: {  	_ = 	snop;
	(pc) =	sbr.rel @p1 .LBB1_5-.Ltmp2, $1  }
0x2c: {  	_ =	sdelay $0x3  }
0x2d: {  	s12 =	simm.s32 $0x1  }
0x2e: {  	_ =	swait.ge [sflag:s5], $0x1000;
	s12 =	simm.s32 @!p0 $0x0  }
0x2f: {  	[sflag:s5] =	ssyncset.done $0x0;
	s13 =	sshll.u32 s12, $0xC  }
0x30: {  	[sflag:s5] =	ssyncadd.s32 $0xFFFFF000;
	s16 =	sor.u32 $0x10, s13  }
0x31: {  	s12 =	smul.u32 $0x4080, s12;
	v1 =	vld [tilespmem:s16+$0x0]  }
0x32: {  	s30 =	sand.u32 $0x1, s10;
	v0 =	vld [tilespmem:s16+$0xFFFFFFF0]  }
0x33: {  	s13 =	smul.u32 $0x4080, s30;
	s12 =	sshrl.u32 s12, $0x2  }
0x34: {  	s14 =	sor.u32 $0x2000, s12  }
0x35: {  	s31 =	sshrl.u32 s13, $0x2;
	s13 =	sadd.s32 $0x0, s14  }
0x36: {  	s15 =	simm.s32 $0x4;
	s16 =	sadd.s32 $0x20, s16;
	s12 =	sor.u32 $0x2000, s31;
	[tilespmem:s13+$0x810 ss:$0x81] =	vst.msk $0xffff, v1  }
.LBB1_3:
0x37: {  	v1 =	vld [tilespmem:s16+$0x0];
	p1 =	sne.s32 s15, $0x1FC;
	[tilespmem:s13+$0x0 ss:$0x81] =	vst.msk $0xffff, v0;
	s13 =	smov.u32 s15;
	s15 =	sadd.s32 $0x4, s15  }
.Ltmp3:
0x38: {  	v0 =	vld [tilespmem:s16+$0xFFFFFFF0];
	(pc) =	sbr.rel @p1 .LBB1_3-.Ltmp3, $4  }
0x39: {  	_ = 	snop  }
0x3a: {  	s13 =	sshra.s32 s13, $0x2  }
0x3b: {  	s13 =	sadd.s32 s13, s14  }
0x3c: {  	s16 =	sadd.s32 $0x20, s16;
	[tilespmem:s13+$0x810 ss:$0x81] =	vst.msk $0xffff, v1  }
.Ltmp4:
0x3d: {  	_ = 	snop;
	(pc) =	sbr.rel .LBB1_4-.Ltmp4, $1  }
0x3e: {  	_ =	sdelay $0x3  }
.LBB1_6:
0x3f: {  	_ =	sfence.sel $0x180000  }
0x40: {  	s2 =	simm.s32 $0x1;
	[bflag:$0x0] =	sbarrier.arrive $0xFFFF  }
0x41: {  	s31 =	simm.s32 $0x2;
	[sflag:s2] =	ssyncpa.u1 $0x1  }
0x42: {  	[sflag:s31] =	ssyncpa.u1 $0x1  }
0x43: {  	p0 =	sne.s32 s0, $0x0;
	_ =	strace $0x9000004A  }
0x44: {  	s0 =	sadd.s32 @!p0 $0x100000, s1;
	[bflag:$0x2] =	sbarrier.arrive $0xFFFF  }
0x45: {  	[sflag:s0] =	ssyncadd.tile.s32 @!p0 $0x1;
	_ =	shalt  }
.Lfunc_end1:
_tile_overlayer_lowered:
.L_overlay_start_2:
0x46: {  	(tag) =	ssettag $0x2  }
0x47: {  	s0 =	rddreg [dreg:$0x0];
	s2 =	stileid.u32  }
0x48: {  	s1 =	rddreg [dreg:$0x1];
	p0 =	sne.s32 s2, $0x0  }
0x49: {  	s3 =	rddreg [dreg:$0x2];
	[bflag:$0x3] =	sbarrier.arrive $0xFFFF;
	s2 =	simm.s32 @!p0 $0x1C01  }
0x4a: {  	[timem:s3], [sflag:s2] =	dma.local @!p0 [hbm:s0], s1  }
0x4b: {  	s0 =	simm.s32 @!p0 $0x1  }
0x4c: {  	_ =	swait.ge @!p0 [sflag:s0], s1  }
0x4d: {  	s1 =	ssub.s32 @!p0 $0x0, s1;
	[sflag:s0] =	ssyncset.done @!p0 $0x0  }
0x4e: {  	[sflag:s0] =	ssyncadd.s32 @!p0 s1  }
0x4f: {  	[bflag:$0x3] =	sbarrier.arrive $0xFFFF  }
0x50: {  	_ =	shalt  }

// kernel: sparse-core-data-format-call.cloned.1.call-start
scs
called_computation_lowered:
.L_overlay_start_0:
0x0: {  	s2 =	sld [smem:$0x3FD9]  }
0x1: {  	s3 =	sld [smem:$0x3FFE];
	_ =	sdelay $0x1  }
0x2: {  	s1 =	srdreg.scid  }
0x3: {  	s0 =	sand.u32 $0x1, s1  }
0x4: {  	s18 =	sshll.u32 s0, $0xA;
	s2 =	sadd.s32 s3, s2  }
0x5: {  	s2 =	sadd.s32 s2, s18  }
0x6: {  	[smem:$0x3FC6] =	sst s2  }
0x7: {  	_ = 	snop  }
0x8: {  	s2 =	sld [smem:$0x3FD0];
	(tm) =	ssettm $0x1  }
0x9: {  	s19 =	sld [smem:$0x3FFB];
	_ =	sdelay $0x3  }
0xa: {  	_ =	strace s19  }
0xb: {  	s3 =	sld [smem:$0x3FFC];
	_ =	sdelay $0x3  }
0xc: {  	_ =	strace s3  }
0xd: {  	s3 =	sld [smem:$0x3FFD];
	_ =	sdelay $0x3  }
0xe: {  	_ =	strace s3  }
0xf: {  	_ =	strace $0x8FFFFFFF  }
0x10: {  	s20 =	sld [smem:$0x3FDB];
	_ =	sdelay $0x1  }
0x11: {  	s4 =	simm.s32 $_scs_section_size  }
0x12: {  	s5 =	simm.s32 $_size__tile_overlayer_lowered;
	s6 =	simm.s32 $_tile_overlayer_lowered  }
0x13: {  	s23 =	simm.s32 $0x1BFF;
	s22 =	sshll.u32 s6, $0x1;
	s3 =	sadd.s32 s4, s20  }
0x14: {  	s7 =	simm.s32 $0x0;
	s21 =	sshll.u32 s5, $0x1;
	s5 =	sadd.s32 s22, s3  }
0x15: {  	[timem:s7], [sflag:s23] =	dma.local [hbm:s5], s21  }
0x16: {  	_ =	swait.ge [sflag:s23], s21  }
0x17: {  	s4 =	ssub.s32 $0x0, s21;
	[sflag:s23] =	ssyncset.done $0x0  }
0x18: {  	[sflag:s23] =	ssyncadd.s32 s4;
	_ =	sdelay $0x1  }
0x19: {  	s24 =	simm.s32 $0x1B8B  }
0x1a: {  	_ =	swait.ge [sflag:s24], $0x1  }
0x1b: {  	[sflag:s24] =	ssyncset.done $0x0  }
0x1c: {  	s26 =	simm.s32 $0x1B8E;
	s25 =	sld [smem:$0x3FFE];
	[sflag:s24] =	ssyncadd.s32 $0xFFFFFFFF  }
0x1d: {  	s27 =	simm.s32 $execute0_lowered;
	[smem:$0x3FD2] =	sst s26  }
0x1e: {  	s5 =	sshll.u32 s27, $0x1;
	_ =	strace $0x8000004C;
	[dreg:$0x1] =	wrdreg $0xFFFFFFFF  }
0x1f: {  	s28 =	simm.s32 $_size_execute0_lowered;
	s3 =	sadd.s32 s3, s5;
	[dreg:$0x0] =	wrdreg $0x0  }
0x20: {  	s5 =	sshll.u32 s28, $0x1;
	[dreg:$0x2] =	wrdreg s3  }
0x21: {  	[dreg:$0x3] =	wrdreg s5  }
0x22: {  	[dreg:$0x4] =	wrdreg $0xC0  }
0x23: {  	_ =	task [dreg:s7], $0x5FFFF  }
0x24: {  	[dreg:$0x1] =	wrdreg $0xFFFFFFFF  }
0x25: {  	[dreg:$0x0] =	wrdreg $0x60  }
0x26: {  	[dreg:$0x2] =	wrdreg s25  }
0x27: {  	[dreg:$0x3] =	wrdreg s2  }
0x28: {  	[dreg:$0x4] =	wrdreg $0x9  }
0x29: {  	_ =	task.clear_ibuf [dreg:s7], $0x5FFFF;
	_ =	strace $0x9000004C  }
0x2a: {  	s29 =	simm.s32 $0x9;
	_ =	strace $0x8000004E  }
0x2b: {  	_ =	swait.ge [sflag:s29], $0x1  }
0x2c: {  	[sflag:s29] =	ssyncadd.s32 $0xFFFFFFFF  }
0x2d: {  	_ =	strace $0x9000004E  }
0x2e: {  	_ =	sfence  }
0x2f: {  	s30 =	sld [smem:$0x0];
	_ =	sdelay $0x2  }
0x30: {  	s31 =	sshll.u32 s1, $0xD;
	s1 =	sshrl.u32 s1, $0x2  }
0x31: {  	s3 =	sand.u32 $0x4000, s31;
	s1 =	sadd.s32 s1, s30  }
0x32: {  	s0 =	sor.u32 s3, s0;
	s1 =	sshll.u32 s1, $0x11  }
0x33: {  	s0 =	sor.u32 s1, s0  }
0x34: {  	s0 =	sadd.s32 $0x8F2B, s0  }
0x35: {  	[sflag:s0] =	ssyncadd.remote.s32 $0x1  }
0x36: {  	_ =	sfence.sel $0xFFFF  }
0x37: {  	[dreg:$0x0] =	wrdreg $0xFFFFFFFF;
	(pc) =	sbr.abs _section_cstart, $3  }
0x38: {  	[dreg:$0x1] =	wrdreg $0xFFFFFFFF  }
0x39: {  	_ =	task.clear_ibuf [dreg:s7], $0x2FFFF;
	_ =	strace $0x9FFFFFFF  }
0x3a: {  	(tm) =	ssettm $0x7FFFFFFF  }
0x3b: {  	_ =	shalt  }
tec
execute0_lowered:
.L_overlay_start_1:
0x0: {  	(tag) =	ssettag $0x1  }
0x1: {  	s8 =	rddreg [dreg:$0x0]  }
0x2: {  	s2 =	rddreg [dreg:$0x1];
	s1 =	stileid.u32  }
0x3: {  	s4 =	srdreg.scid;
	s0 =	rddreg [dreg:$0x2];
	_ =	strace $0x8000004D  }
0x4: {  	s9 =	simm.s32 $0x1;
	s31 =	simm.s32 $0x2;
	s16 =	simm.s32 $0x0  }
0x5: {  	s17 =	simm.s32 $0x0;
	s11 =	simm.s32 $0x0;
	s12 =	simm.s32 $0x0  }
0x6: {  	s15 =	simm.s32 $0x0;
	s3 =	sshll.u32 s1, $0x1;
	s4 =	sshll.u32 s4, $0x7  }
0x7: {  	s4 =	sand.u32 $0x80, s4;
	s5 =	ssub.s32 $0x20, s3;
	s14 =	smov.u32 s3  }
0x8: {  	s6 =	sshrl.u32 s5, $0x5;
	s5 =	sand.u32 $0x1E, s5;
	s7 =	ssub.s32 $0x4000, s4  }
0x9: {  	p0 =	sne.s32 s5, $0x0;
	s30 =	sshrl.u32 s7, $0x7;
	s7 =	sshrl.u32 s7, $0x8  }
.Ltmp0:
0xa: {  	s9 =	simm.s32 @!p0 $0x0;
	s10 =	sand.u32 $0x1, s30;
	(pc) =	sbr.rel .LBB1_1-.Ltmp0, $4  }
0xb: {  	s5 =	simm.s32 $0x1;
	s6 =	sadd.s32 s9, s6;
	s7 =	sadd.s32 s7, s10  }
0xc: {  	s13 =	smov.u32 s4;
	[sflag:s5] =	ssyncpa.u1 $0x0;
	s6 =	smul.u32 s6, s7  }
0xd: {  	p0 =	por $0x0, $0x0;
	[sflag:s31] =	ssyncpa.u1 $0x0;
	s10 =	simm.s32 $0x80000  }
0xe: {  	s7 =	sadd.s32 $0xE00, s8;
	s8 =	sadd.s32 $0x40E00, s8;
	s9 =	sadd.s32 $0x1, s6  }
.LBB1_7:
0xf: {  	p1 =	slt.u32 s15, $0x2  }
0x10: {  	s19 =	smov.u32 s17;
	p2 =	sgt.s32 @!p1 s17, $0x1E;
	s18 =	sshra.s32 @!p1 s17, $0x1F  }
0x11: {  	p3 =	sgt.s32 @!p1 s16, $0x3F80;
	s20 =	sshra.s32 @!p1 s16, $0x1F;
	p2 =	por !p2, p1  }
0x12: {  	s17 =	sand.u32 @!p1 s18, s17;
	p3 =	por !p3, p1;
	s18 =	smov.u32 s16  }
0x13: {  	s16 =	sand.u32 @!p1 s20, s16;
	s19 =	simm.s32 @p2 $0x1E;
	s18 =	simm.s32 @p3 $0x3F80  }
0x14: {  	s20 =	smov.u32 s14;
	s17 =	ssub.s32 @!p1 s19, s17;
	s16 =	ssub.s32 @!p1 s18, s16  }
0x15: {  	s18 =	sadd.s32 @!p1 $0xFFFFFFE2, s17;
	s17 =	ssub.s32 @!p1 $0x20, s17;
	s19 =	sadd.s32 @!p1 $0xFFFFC080, s16  }
0x16: {  	p2 =	sgt.s32 @!p1 s18, $0x1;
	s17 =	smul.u32 @!p1 $0x32, s17;
	p3 =	sgt.s32 @!p1 s19, $0x7F  }
0x17: {  	s16 =	ssub.s32 @!p1 $0x4000, s16;
	p2 =	por !p2, p1;
	p3 =	por !p3, p1  }
0x18: {  	s18 =	sadd.s32 $0x100, s13;
	s17 =	simm.s32 @!p2 $0x0;
	s16 =	simm.s32 @!p3 $0x0  }
0x19: {  	p2 =	sgt.s32 s18, $0x3FFF;
	s16 =	smul.u32 @!p1 s16, s17;
	s17 =	sadd.s32 $0x20, s14  }
0x1a: {  	s20 =	smov.u32 @p2 s17  }
0x1b: {  	s18 =	smov.u32 @p2 s4;
	p2 =	sgt.s32 s20, $0x1F  }
0x1c: {  	s20 =	smov.u32 @p2 s3;
	p2 =	sne.s32 s15, s9  }
.Ltmp1:
0x1d: {  	p0 =	por !p0, !p0;
	s19 =	simm.s32 @!p1 $0x2;
	(pc) =	sbr.rel @!p2 .LBB1_8-.Ltmp1, $4  }
0x1e: {  	s17 =	smov.u32 s12;
	s12 =	smov.u32 s14;
	s16 =	sand.u32 @!p1 $0x3FFFFFFE, s16  }
0x1f: {  	_ =	swait.ge @!p1 [sflag:s19], s16;
	s21 =	ssub.s32 @!p1 $0x0, s16;
	s16 =	smov.u32 s11  }
0x20: {  	s15 =	sadd.s32 $0x1, s15;
	s11 =	smov.u32 s13;
	[sflag:s19] =	ssyncset.done @!p1 $0x0  }
0x21: {  	s13 =	smov.u32 s18;
	s14 =	smov.u32 s20;
	[sflag:s19] =	ssyncadd.s32 @!p1 s21  }
.LBB1_1:
0x22: {  	p1 =	sge.u32 s15, s6  }
0x23: {  	s18 =	sxor.u32 @!p1 $0xFFFFFFFF, s15;
	s19 =	sshll.u32 @!p1 s14, $0x12  }
0x24: {  	s20 =	sshll.u32 @!p1 s13, $0x4;
	s22 =	simm.s32 @!p1 $0x40;
	s23 =	simm.s32 @!p1 $0x80  }
0x25: {  	s18 =	sshll.u32 @!p1 s18, $0xE;
	s20 =	sand.u32 @!p1 $0x3FFF0, s20;
	s21 =	sadd.s32 @!p1 s7, s19  }
0x26: {  	s19 =	sadd.s32 @!p1 s19, s8;
	s18 =	sand.u32 @!p1 $0x4000, s18;
	s21 =	sadd.s32 @!p1 s20, s21  }
0x27: {  	[tilespmem:s18], [sflag:$0x1] =	stream.strided.gather @!p1 [hbm4b:s21+s22], $0x2000, s23, s22, $0x38;
	[tilespmem:$0x10100] =	vst v63  }
0x28: {  	s31 =	sadd.s32 $0xFFFFFFFF, s15;
	s19 =	sadd.s32 @!p1 s20, s19;
	s18 =	sor.u32 @!p1 $0x2000, s18  }
0x29: {  	[tilespmem:s18], [sflag:$0x1] =	stream.strided.gather @!p1 [hbm4b:s19+s22], $0x2000, s23, s22, $0x38;
	[tilespmem:$0x10100] =	vst v63  }
0x2a: {  	p1 =	sge.u32 s31, s6  }
.Ltmp2:
0x2b: {  	_ = 	snop;
	(pc) =	sbr.rel @p1 .LBB1_7-.Ltmp2, $1  }
0x2c: {  	_ =	sdelay $0x3  }
0x2d: {  	s18 =	simm.s32 $0x1;
	s20 =	sand.u32 $0x1, s15  }
0x2e: {  	_ =	swait.ge [sflag:s5], $0x4000;
	s18 =	simm.s32 @!p0 $0x0;
	s20 =	smul.u32 $0x10200, s20  }
0x2f: {  	p2 =	por $0x1, $0x1;
	[sflag:s5] =	ssyncset.done $0x0;
	s19 =	smul.u32 $0x10200, s18  }
0x30: {  	s21 =	sshll.u32 s18, $0x10;
	[sflag:s5] =	ssyncadd.s32 $0xFFFFC000;
	s30 =	sshrl.u32 s20, $0x2  }
0x31: {  	s31 =	sshrl.u32 s21, $0x2;
	s21 =	simm.s32 $0x0;
	s19 =	sshrl.u32 s19, $0x2  }
0x32: {  	s18 =	sor.u32 $0x8000, s30;
	s20 =	sadd.s32 $0x20, s31;
	s19 =	sor.u32 $0x8000, s19  }
.LBB1_3:
0x33: {  	s22 =	sshll.u32 s21, $0xD  }
0x34: {  	s22 =	sand.u32 $0x3FFFE000, s22  }
0x35: {  	s24 =	sadd.s32 s22, s20  }
0x36: {  	s31 =	smul.u32 $0x204, s21;
	v3 =	vld [tilespmem:s24+$0x10]  }
0x37: {  	v1 =	vld [tilespmem:s24+$0xFFFFFFF0]  }
0x38: {  	s21 =	sshra.s32 s31, $0x2;
	v0 =	vld [tilespmem:s24+$0x0]  }
0x39: {  	s21 =	sadd.s32 s21, s19;
	v2 =	vld [tilespmem:s24+$0xFFFFFFE0]  }
0x3a: {  	s22 =	sadd.s32 $0x0, s21  }
0x3b: {  	p1 =	por p2, p2;
	s23 =	simm.s32 $0x4;
	s24 =	sadd.s32 $0x40, s24;
	[tilespmem:s22+$0x3060 ss:$0x102] =	vst.msk $0xffff, v3  }
.LBB1_4:
0x3c: {  	v3 =	vld [tilespmem:s24+$0x10];
	p2 =	sne.s32 s23, $0x1FC;
	[tilespmem:s22+$0x1020 ss:$0x102] =	vst.msk $0xffff, v1;
	s25 =	smov.u32 s23;
	s23 =	sadd.s32 $0x4, s23  }
.Ltmp3:
0x3d: {  	v1 =	vld [tilespmem:s24+$0xFFFFFFF0];
	[tilespmem:s22+$0x2040 ss:$0x102] =	vst.msk $0xffff, v0;
	(pc) =	sbr.rel @p2 .LBB1_4-.Ltmp3, $4  }
0x3e: {  	v0 =	vld [tilespmem:s24+$0x0];
	[tilespmem:s22+$0x0 ss:$0x102] =	vst.msk $0xffff, v2  }
0x3f: {  	s22 =	sshra.s32 s25, $0x2;
	v2 =	vld [tilespmem:s24+$0xFFFFFFE0]  }
0x40: {  	s22 =	sadd.s32 s22, s21  }
0x41: {  	s24 =	sadd.s32 $0x40, s24;
	[tilespmem:s22+$0x3060 ss:$0x102] =	vst.msk $0xffff, v3  }
.Ltmp4:
0x42: {  	(pc) =	sbr.rel @p1 .LBB1_3-.Ltmp4, $4  }
0x43: {  	_ = 	snop  }
0x44: {  	[tilespmem:s22+$0x1020 ss:$0x102] =	vst.msk $0xffff, v1  }
0x45: {  	[tilespmem:s22+$0x2040 ss:$0x102] =	vst.msk $0xffff, v0  }
0x46: {  	s21 =	simm.s32 $0x1;
	p2 =	por $0x0, $0x0;
	[tilespmem:s22+$0x0 ss:$0x102] =	vst.msk $0xffff, v2  }
0x47: {  	s19 =	sand.u32 $0x78, s11;
	p1 =	sgt.s32 s12, $0x1E;
	s20 =	smov.u32 s12  }
0x48: {  	s21 =	sshra.s32 s12, $0x1F;
	s22 =	sshll.u32 s12, $0xE;
	s23 =	sshll.u32 s11, $0x3  }
0x49: {  	s30 =	sshra.s32 s11, $0x1F;
	s25 =	sshll.u32 s12, $0x7;
	s20 =	simm.s32 @!p1 $0x1E  }
0x4a: {  	s21 =	sand.u32 s21, s12;
	s22 =	sand.u32 $0x60000, s22;
	p1 =	sgt.s32 s11, $0x3F80  }
0x4b: {  	s25 =	sand.u32 $0x380, s25;
	s20 =	ssub.s32 s20, s21;
	s21 =	smov.u32 s11  }
0x4c: {  	s22 =	sadd.s32 s22, s23;
	s24 =	sadd.s32 $0xFFFFFFE2, s20;
	s21 =	simm.s32 @!p1 $0x3F80  }
0x4d: {  	s20 =	ssub.s32 $0x20, s20;
	p1 =	sgt.s32 s24, $0x1;
	s24 =	sand.u32 s30, s11  }
0x4e: {  	s23 =	sand.u32 $0x3C00, s23;
	s20 =	smul.u32 $0x32, s20;
	s21 =	ssub.s32 s21, s24  }
0x4f: {  	s19 =	sor.u32 s25, s19;
	s22 =	sand.u32 $0x7C000, s22;
	s24 =	sadd.s32 $0xFFFFC080, s21  }
0x50: {  	s20 =	simm.s32 @p1 $0x0;
	s21 =	ssub.s32 $0x4000, s21;
	p1 =	sgt.s32 s24, $0x7F  }
.Ltmp5:
0x51: {  	s19 =	sor.u32 s23, s19;
	s21 =	simm.s32 @p1 $0x0;
	(pc) =	sbr.rel .LBB1_7-.Ltmp5, $4  }
0x52: {  	s31 =	sand.u32 $0x7, s11;
	s19 =	sor.u32 s22, s19;
	s20 =	smul.u32 s21, s20  }
0x53: {  	s19 =	sshrl.u32 s19, $0x3;
	s21 =	sshll.u32 s31, $0x12  }
0x54: {  	s19 =	sadd.s32 s2, s19;
	s21 =	sor.u32 $0x100, s21;
	s20 =	sand.u32 $0x3FFFFFFE, s20  }
0x55: {  	[hbm4b:s19+s21] =	stream.strided.scatter [tilespmem:s18], [sflag:$0x2], s20, s10, s21, $0x20;
	[tilespmem:$0x10100] =	vst v63  }
.LBB1_8:
0x56: {  	_ =	sfence.sel $0x180000  }
0x57: {  	s2 =	simm.s32 $0x1;
	[bflag:$0x0] =	sbarrier.arrive $0xFFFF  }
0x58: {  	s31 =	simm.s32 $0x2;
	[sflag:s2] =	ssyncpa.u1 $0x1  }
0x59: {  	[sflag:s31] =	ssyncpa.u1 $0x1  }
0x5a: {  	p0 =	sne.s32 s1, $0x0;
	_ =	strace $0x9000004D  }
0x5b: {  	s0 =	sadd.s32 @!p0 $0x100000, s0;
	[bflag:$0x2] =	sbarrier.arrive $0xFFFF  }
0x5c: {  	[sflag:s0] =	ssyncadd.tile.s32 @!p0 $0x1;
	_ =	shalt  }
.Lfunc_end1:
_tile_overlayer_lowered:
.L_overlay_start_2:
0x5d: {  	(tag) =	ssettag $0x2  }
0x5e: {  	s0 =	rddreg [dreg:$0x0];
	s2 =	stileid.u32  }
0x5f: {  	s1 =	rddreg [dreg:$0x1];
	p0 =	sne.s32 s2, $0x0  }
0x60: {  	s3 =	rddreg [dreg:$0x2];
	[bflag:$0x3] =	sbarrier.arrive $0xFFFF;
	s2 =	simm.s32 @!p0 $0x1C01  }
0x61: {  	[timem:s3], [sflag:s2] =	dma.local @!p0 [hbm:s0], s1  }
0x62: {  	s0 =	simm.s32 @!p0 $0x1  }
0x63: {  	_ =	swait.ge @!p0 [sflag:s0], s1  }
0x64: {  	s1 =	ssub.s32 @!p0 $0x0, s1;
	[sflag:s0] =	ssyncset.done @!p0 $0x0  }
0x65: {  	[sflag:s0] =	ssyncadd.s32 @!p0 s1  }
0x66: {  	[bflag:$0x3] =	sbarrier.arrive $0xFFFF  }
0x67: {  	_ =	shalt  }

</sc_bundles>
